<compile_context>
chip_gen: v7x
topology: tpu7x:2x2x1
jax: 0.10.2.dev20260603
libtpu: 0.0.44.dev20260713+nightly
codegen_flags: <defaults>
</compile_context>

<pallas_src>
import functools

import jax
import jax.numpy as jnp
from jax import lax
from jax.experimental import pallas as pl
from jax.experimental.pallas import tpu as pltpu
from jax.experimental.pallas import tpu_sc as plsc

_NC = 2
_NS = 16
_NW = _NC * _NS
_CH = 128
_NBUF = 5
_BC = 2048


def _mm_body(wt_ref, x_ref, b_ref, o_ref):
    o_ref[...] = (
        lax.dot_general(
            wt_ref[...], x_ref[...],
            (((1,), (1,)), ((), ())),
            preferred_element_type=jnp.float32,
        )
        + b_ref[:, 0:1]
    )


def _matmul_t(Wt, x, bb):
    N, K = Wt.shape
    M = x.shape[0]
    BM = 2048
    return pl.pallas_call(
        _mm_body,
        grid=(pl.cdiv(M, BM),),
        in_specs=[
            pl.BlockSpec((N, K), lambda i: (0, 0)),
            pl.BlockSpec((BM, K), lambda i: (i, 0)),
            pl.BlockSpec((N, 128), lambda i: (0, 0)),
        ],
        out_specs=pl.BlockSpec((N, BM), lambda i: (0, i)),
        out_shape=jax.ShapeDtypeStruct((N, M), jnp.float32),
    )(Wt, x, bb)


def _tr_body(x_ref, o_ref):
    BC = x_ref.shape[1]
    h = BC // 2
    SUB = 256
    for s in range(0, h, SUB):
        o_ref[s:s + SUB, 0:64] = x_ref[:, s:s + SUB].T
        o_ref[s:s + SUB, 64:128] = x_ref[:, h + s:h + s + SUB].T


def _transpose_table(tt):
    D, V = tt.shape
    BC = _BC
    nb = pl.cdiv(V, BC)
    return pl.pallas_call(
        _tr_body,
        grid=(nb,),
        in_specs=[
            pl.BlockSpec((D, BC), lambda i: (0, i)),
        ],
        out_specs=pl.BlockSpec((BC // 2, 2 * D), lambda i: (i, 0)),
        out_shape=jax.ShapeDtypeStruct((nb * BC // 2, 2 * D), jnp.float32),
    )(tt)


@functools.cache
def _make_gather(B, NCH, D):
    mesh = plsc.VectorSubcoreMesh(
        core_axis_name="c", subcore_axis_name="s",
        num_cores=_NC, num_subcores=_NS,
    )
    per_w = NCH * _CH
    tail = B % _CH
    rounds = NCH // _NBUF

    @functools.partial(
        pl.kernel,
        mesh=mesh,
        compiler_params=pltpu.CompilerParams(use_tc_tiling_on_sc=False),
        out_type=jax.ShapeDtypeStruct((B, D), jnp.float32),
        scratch_types=[
            pltpu.VMEM((NCH, _CH), jnp.int32),
            pltpu.VMEM((_NBUF, _CH, D), jnp.float32),
            pltpu.SemaphoreType.DMA((_NBUF,)),
            pltpu.SemaphoreType.DMA((_NBUF,)),
        ],
    )
    def gather_k(idx_hbm, table_hbm, out_hbm, idx_v, rows_v, gsem, osem):
        wid = lax.axis_index("s") * _NC + lax.axis_index("c")
        base = wid * per_w
        pltpu.sync_copy(idx_hbm.at[wid], idx_v)

        def store_copy(j, b, nrows):
            start = base + j * _CH
            return pltpu.make_async_copy(
                rows_v.at[b, pl.ds(0, nrows)],
                out_hbm.at[pl.ds(start, nrows)],
                osem.at[b],
            )

        def round_body(it, carry):
            j0 = it * _NBUF
            for b in range(_NBUF):
                j = j0 + b
                jp = j - _NBUF
                startp = base + jp * _CH

                @pl.when((it > 0) & (startp + _CH <= B))
                def _():
                    store_copy(jp, b, _CH).wait()

                if tail:
                    @pl.when((it > 0) & (startp < B) & (startp + _CH > B))
                    def _():
                        store_copy(jp, b, tail).wait()

                pltpu.async_copy(
                    table_hbm.at[idx_v.at[j]], rows_v.at[b], gsem.at[b]
                )
            for b in range(_NBUF):
                j = j0 + b
                start = base + j * _CH
                pltpu.make_async_copy(
                    table_hbm.at[idx_v.at[j]], rows_v.at[b], gsem.at[b]
                ).wait()

                @pl.when(start + _CH <= B)
                def _():
                    store_copy(j, b, _CH).start()

                if tail:
                    @pl.when((start < B) & (start + _CH > B))
                    def _():
                        store_copy(j, b, tail).start()

            return carry

        lax.fori_loop(0, rounds, round_body, 0)

        for b in range(_NBUF):
            j = (rounds - 1) * _NBUF + b
            start = base + j * _CH

            @pl.when(start + _CH <= B)
            def _():
                store_copy(j, b, _CH).wait()

            if tail:
                @pl.when((start < B) & (start + _CH > B))
                def _():
                    store_copy(j, b, tail).wait()

    return gather_k


def kernel(x_author, n_id_paper, W, b, emb_table):
    N = W.shape[1]
    bb = jnp.broadcast_to(b.reshape(N, 1), (N, 128))
    x_out = _matmul_t(W.T, x_author, bb).T

    B = n_id_paper.shape[0]
    D = emb_table.shape[1]
    per_call = _NW * _CH
    group = per_call * _NBUF
    Bpad = -(-B // group) * group
    pad_idx = jnp.arange(Bpad - B, dtype=jnp.int32)
    idx = jnp.concatenate([n_id_paper, pad_idx])
    half = _BC // 2
    idx = (idx & ~jnp.int32(_BC - 1)) + 2 * (idx & (half - 1)) + ((idx // half) & 1)
    table_pair = _transpose_table(emb_table.T)
    table_rm = table_pair.reshape(-1, D)
    dep = jnp.where(jnp.isnan(table_pair[0, 0]), 1, 0).astype(jnp.int32)
    idx = (idx + dep).reshape(_NW, Bpad // per_call, _CH)
    emb_out = _make_gather(B, Bpad // per_call, D)(idx, table_rm)
    return (x_out, emb_out)

# --- scband reference (transcript-rebuilt; emitter-appended) ---
"""Pipeline reference for scband-hetero-raw-node-encoder-86947317941127 (READ-ONLY COPY).

The authoritative reference and input builder live on the scoring server;
editing this copy changes nothing except your own understanding.
"""

import jax, jax.numpy as jnp
import numpy as np

N_AUTHOR = 100000
DIM_IN = 128
DIM_EMB = 64
N_PAPER_TABLE = 1000000
N_ID_LEN = 200000

def setup_inputs(seed: int = 0) -> dict:
    key = jax.random.key(seed)
    k1, k2, k3, k4 = jax.random.split(key, 4)
    # node type 'author' has raw features -> Linear(dim_in, dim_emb)
    x_author = jax.random.normal(k1, (N_AUTHOR, DIM_IN), dtype=jnp.float32)
    # node type 'paper' has no features -> Embedding(num_nodes, dim_emb) gathered by n_id
    n_id_paper = jax.random.randint(k2, (N_ID_LEN,), 0, N_PAPER_TABLE, dtype=jnp.int32)
    # learned parameters
    W = jax.random.normal(k3, (DIM_IN, DIM_EMB), dtype=jnp.float32) * 0.05
    b = jnp.zeros((DIM_EMB,), dtype=jnp.float32)
    emb_table = jax.random.normal(k4, (N_PAPER_TABLE, DIM_EMB), dtype=jnp.float32) * 0.05
    return {"x_author": x_author, "n_id_paper": n_id_paper, "W": W, "b": b, "emb_table": emb_table}

def reference(x_author, n_id_paper, W, b, emb_table):
    # featured node type: batch[nt].x = self.linear[nt](batch[nt].x)
    x_out = x_author @ W + b
    # featureless node type (neighbor-sampled path): batch[nt].x = self.encoder[nt](batch[nt].n_id)
    emb_out = jnp.take(emb_table, n_id_paper, axis=0)
    return (x_out, emb_out)

if __name__ == "__main__":
    import jax
    _d = setup_inputs()
    print(jax.jit(kernel)(*tuple(_d.values())))

</pallas_src>

<mosaic_0001>
#map = affine_map<(d0, d1) -> (0, 0, 0)>
#map1 = affine_map<(d0, d1) -> (0, 0)>
module attributes {stable_mosaic.version = 14 : i64} {
  func.func @gather_k(%arg0: i32, %arg1: i32, %arg2: memref<32x50x128xi32, #tpu.memory_space<hbm>>, %arg3: memref<1001472x64xf32, #tpu.memory_space<hbm>>, %arg4: memref<200000x64xf32, #tpu.memory_space<hbm>>, %arg5: memref<50x128xi32, #tpu.memory_space<vmem>>, %arg6: memref<5x128x64xf32, #tpu.memory_space<vmem>>, %arg7: memref<5x!tpu.dma_semaphore, #tpu.memory_space<semaphore_mem>>, %arg8: memref<5x!tpu.dma_semaphore, #tpu.memory_space<semaphore_mem>>) attributes {dimension_semantics = [#tpu.dimension_semantics<core_parallel>, #tpu.dimension_semantics<subcore_parallel>], iteration_bounds = array<i64: 2, 16>, scalar_prefetch = 0 : i64, scratch_operands = 4 : i64, tpu.core_type = #tpu.core_type<sc_vector_subcore>, window_params = [{transform_indices = #map}, {transform_indices = #map1}, {transform_indices = #map1}]} {
    %mul3A = arith.constant 2 : i32
    %mul3A_0 = arith.muli %arg1, %mul3A : i32
    %add3A = arith.addi %mul3A_0, %arg0 : i32
    %mul3A_1 = arith.constant 6400 : i32
    %mul3A_2 = arith.muli %add3A, %mul3A_1 : i32
    "tpu.region"() ({
      %run_scoped3A = tpu.sem_alloc : memref<!tpu.dma_semaphore, #tpu.memory_space<semaphore_mem>>
      %dma_start3A = arith.constant 0 : i32
      %dma_start3A_97 = arith.constant 0 : i32
      %dma_start3A_98 = tpu.memref_slice %arg2[%add3A, %dma_start3A, %dma_start3A_97] : memref<32x50x128xi32, #tpu.memory_space<hbm>> -> memref<1x50x128xi32, #tpu.memory_space<hbm>>
      %dma_start3A_99 = tpu.memref_squeeze %dma_start3A_98 : memref<1x50x128xi32, #tpu.memory_space<hbm>> -> memref<50x128xi32, #tpu.memory_space<hbm>>
      %dma_start3A_100 = arith.constant 0 : i32
      %dma_start3A_101 = arith.constant 0 : i32
      %dma_start3A_102 = tpu.memref_slice %arg2[%add3A, %dma_start3A_100, %dma_start3A_101] : memref<32x50x128xi32, #tpu.memory_space<hbm>> -> memref<1x50x128xi32, #tpu.memory_space<hbm>>
      %dma_start3A_103 = tpu.memref_squeeze %dma_start3A_102 : memref<1x50x128xi32, #tpu.memory_space<hbm>> -> memref<50x128xi32, #tpu.memory_space<hbm>>
      tpu.enqueue_dma source(%dma_start3A_103 : memref<50x128xi32, #tpu.memory_space<hbm>>) target(%arg5 : memref<50x128xi32, #tpu.memory_space<vmem>>) target_semaphore(%run_scoped3A : memref<!tpu.dma_semaphore, #tpu.memory_space<semaphore_mem>>)
      %dma_wait3A = arith.constant 0 : i32
      %dma_wait3A_104 = arith.constant 0 : i32
      %dma_wait3A_105 = tpu.memref_slice %arg2[%add3A, %dma_wait3A, %dma_wait3A_104] : memref<32x50x128xi32, #tpu.memory_space<hbm>> -> memref<1x50x128xi32, #tpu.memory_space<hbm>>
      %dma_wait3A_106 = tpu.memref_squeeze %dma_wait3A_105 : memref<1x50x128xi32, #tpu.memory_space<hbm>> -> memref<50x128xi32, #tpu.memory_space<hbm>>
      %dma_wait3A_107 = arith.constant 0 : i32
      %dma_wait3A_108 = arith.constant 0 : i32
      %dma_wait3A_109 = tpu.memref_slice %arg2[%add3A, %dma_wait3A_107, %dma_wait3A_108] : memref<32x50x128xi32, #tpu.memory_space<hbm>> -> memref<1x50x128xi32, #tpu.memory_space<hbm>>
      %dma_wait3A_110 = tpu.memref_squeeze %dma_wait3A_109 : memref<1x50x128xi32, #tpu.memory_space<hbm>> -> memref<50x128xi32, #tpu.memory_space<hbm>>
      tpu.wait_dma2 semaphore(%run_scoped3A : memref<!tpu.dma_semaphore, #tpu.memory_space<semaphore_mem>>) src(%dma_wait3A_110 : memref<50x128xi32, #tpu.memory_space<hbm>>) dst(%arg5 : memref<50x128xi32, #tpu.memory_space<vmem>>)
      tpu.yield
    }) : () -> ()
    %scan3A = arith.constant 0 : i32
    %scan3A_3 = arith.constant 0 : i32
    %scan3A_4 = arith.constant 10 : i32
    %scan3A_5 = arith.addi %scan3A_3, %scan3A_4 : i32
    %scan3A_6 = arith.constant 1 : i32
    scf.for %scan3A_97 = %scan3A_3 to %scan3A_5 step %scan3A_6  : i32 {
      %mul3A_98 = arith.constant 5 : i32
      %mul3A_99 = arith.muli %scan3A_97, %mul3A_98 : i32
      %add3A_100 = arith.constant 0 : i32
      %add3A_101 = arith.addi %mul3A_99, %add3A_100 : i32
      %sub3A = arith.constant 5 : i32
      %sub3A_102 = arith.subi %add3A_101, %sub3A : i32
      %mul3A_103 = arith.constant 128 : i32
      %mul3A_104 = arith.muli %sub3A_102, %mul3A_103 : i32
      %add3A_105 = arith.addi %mul3A_2, %mul3A_104 : i32
      %gt3A_106 = arith.constant 0 : i32
      %gt3A_107 = arith.cmpi sgt, %scan3A_97, %gt3A_106 : i32
      %add3A_108 = arith.constant 128 : i32
      %add3A_109 = arith.addi %add3A_105, %add3A_108 : i32
      %le3A_110 = arith.constant 200000 : i32
      %le3A_111 = arith.cmpi sle, %add3A_109, %le3A_110 : i32
      %and3A_112 = arith.andi %gt3A_107, %le3A_111 : i1
      %convert_element_type3A_113 = arith.extui %and3A_112 : i1 to i32
      %cond3A_114 = arith.constant 0 : i32
      %cond3A_115 = arith.cmpi ne, %convert_element_type3A_113, %cond3A_114 : i32
      scf.if %cond3A_115 {
        %mul3A_497 = arith.constant 128 : i32
        %mul3A_498 = arith.muli %sub3A_102, %mul3A_497 : i32
        %add3A_499 = arith.addi %mul3A_2, %mul3A_498 : i32
        %dma_wait3A_500 = arith.constant 0 : i32
        %dma_wait3A_501 = arith.constant 0 : i32
        %dma_wait3A_502 = arith.constant 0 : i32
        %dma_wait3A_503 = arith.constant 0 : i32
        %dma_wait3A_504 = tpu.memref_slice %arg6[%dma_wait3A_500, %dma_wait3A_502, %dma_wait3A_503] : memref<5x128x64xf32, #tpu.memory_space<vmem>> -> memref<1x128x64xf32, #tpu.memory_space<vmem>>
        %dma_wait3A_505 = tpu.memref_squeeze %dma_wait3A_504 : memref<1x128x64xf32, #tpu.memory_space<vmem>> -> memref<128x64xf32, #tpu.memory_space<vmem>>
        %dma_wait3A_506 = arith.constant 0 : i32
        %dma_wait3A_507 = tpu.memref_slice %arg4[%add3A_499, %dma_wait3A_506] : memref<200000x64xf32, #tpu.memory_space<hbm>> -> memref<128x64xf32, #tpu.memory_space<hbm>>
        %dma_wait3A_508 = tpu.memref_slice %arg8[%dma_wait3A_501] : memref<5x!tpu.dma_semaphore, #tpu.memory_space<semaphore_mem>> -> memref<1x!tpu.dma_semaphore, #tpu.memory_space<semaphore_mem>>
        %dma_wait3A_509 = tpu.memref_squeeze %dma_wait3A_508 : memref<1x!tpu.dma_semaphore, #tpu.memory_space<semaphore_mem>> -> memref<!tpu.dma_semaphore, #tpu.memory_space<semaphore_mem>>
        %dma_wait3A_510 = arith.constant 0 : i32
        %dma_wait3A_511 = tpu.memref_slice %arg4[%add3A_499, %dma_wait3A_510] : memref<200000x64xf32, #tpu.memory_space<hbm>> -> memref<128x64xf32, #tpu.memory_space<hbm>>
        %dma_wait3A_512 = arith.constant 0 : i32
        %dma_wait3A_513 = arith.constant 0 : i32
        %dma_wait3A_514 = tpu.memref_slice %arg6[%dma_wait3A_500, %dma_wait3A_512, %dma_wait3A_513] : memref<5x128x64xf32, #tpu.memory_space<vmem>> -> memref<1x128x64xf32, #tpu.memory_space<vmem>>
        %dma_wait3A_515 = tpu.memref_squeeze %dma_wait3A_514 : memref<1x128x64xf32, #tpu.memory_space<vmem>> -> memref<128x64xf32, #tpu.memory_space<vmem>>
        tpu.wait_dma2 semaphore(%dma_wait3A_509 : memref<!tpu.dma_semaphore, #tpu.memory_space<semaphore_mem>>) src(%dma_wait3A_515 : memref<128x64xf32, #tpu.memory_space<vmem>>) dst(%dma_wait3A_511 : memref<128x64xf32, #tpu.memory_space<hbm>>)
      } else {
      }
      %gt3A_116 = arith.constant 0 : i32
      %gt3A_117 = arith.cmpi sgt, %scan3A_97, %gt3A_116 : i32
      %lt3A_118 = arith.constant 200000 : i32
      %lt3A_119 = arith.cmpi slt, %add3A_105, %lt3A_118 : i32
      %and3A_120 = arith.andi %gt3A_117, %lt3A_119 : i1
      %add3A_121 = arith.constant 128 : i32
      %add3A_122 = arith.addi %add3A_105, %add3A_121 : i32
      %gt3A_123 = arith.constant 200000 : i32
      %gt3A_124 = arith.cmpi sgt, %add3A_122, %gt3A_123 : i32
      %and3A_125 = arith.andi %and3A_120, %gt3A_124 : i1
      %convert_element_type3A_126 = arith.extui %and3A_125 : i1 to i32
      %cond3A_127 = arith.constant 0 : i32
      %cond3A_128 = arith.cmpi ne, %convert_element_type3A_126, %cond3A_127 : i32
      scf.if %cond3A_128 {
        %mul3A_497 = arith.constant 128 : i32
        %mul3A_498 = arith.muli %sub3A_102, %mul3A_497 : i32
        %add3A_499 = arith.addi %mul3A_2, %mul3A_498 : i32
        %dma_wait3A_500 = arith.constant 0 : i32
        %dma_wait3A_501 = arith.constant 0 : i32
        %dma_wait3A_502 = arith.constant 0 : i32
        %dma_wait3A_503 = arith.constant 0 : i32
        %dma_wait3A_504 = tpu.memref_slice %arg6[%dma_wait3A_500, %dma_wait3A_502, %dma_wait3A_503] : memref<5x128x64xf32, #tpu.memory_space<vmem>> -> memref<1x64x64xf32, #tpu.memory_space<vmem>>
        %dma_wait3A_505 = tpu.memref_squeeze %dma_wait3A_504 : memref<1x64x64xf32, #tpu.memory_space<vmem>> -> memref<64x64xf32, #tpu.memory_space<vmem>>
        %dma_wait3A_506 = arith.constant 0 : i32
        %dma_wait3A_507 = tpu.memref_slice %arg4[%add3A_499, %dma_wait3A_506] : memref<200000x64xf32, #tpu.memory_space<hbm>> -> memref<64x64xf32, #tpu.memory_space<hbm>>
        %dma_wait3A_508 = tpu.memref_slice %arg8[%dma_wait3A_501] : memref<5x!tpu.dma_semaphore, #tpu.memory_space<semaphore_mem>> -> memref<1x!tpu.dma_semaphore, #tpu.memory_space<semaphore_mem>>
        %dma_wait3A_509 = tpu.memref_squeeze %dma_wait3A_508 : memref<1x!tpu.dma_semaphore, #tpu.memory_space<semaphore_mem>> -> memref<!tpu.dma_semaphore, #tpu.memory_space<semaphore_mem>>
        %dma_wait3A_510 = arith.constant 0 : i32
        %dma_wait3A_511 = tpu.memref_slice %arg4[%add3A_499, %dma_wait3A_510] : memref<200000x64xf32, #tpu.memory_space<hbm>> -> memref<64x64xf32, #tpu.memory_space<hbm>>
        %dma_wait3A_512 = arith.constant 0 : i32
        %dma_wait3A_513 = arith.constant 0 : i32
        %dma_wait3A_514 = tpu.memref_slice %arg6[%dma_wait3A_500, %dma_wait3A_512, %dma_wait3A_513] : memref<5x128x64xf32, #tpu.memory_space<vmem>> -> memref<1x64x64xf32, #tpu.memory_space<vmem>>
        %dma_wait3A_515 = tpu.memref_squeeze %dma_wait3A_514 : memref<1x64x64xf32, #tpu.memory_space<vmem>> -> memref<64x64xf32, #tpu.memory_space<vmem>>
        tpu.wait_dma2 semaphore(%dma_wait3A_509 : memref<!tpu.dma_semaphore, #tpu.memory_space<semaphore_mem>>) src(%dma_wait3A_515 : memref<64x64xf32, #tpu.memory_space<vmem>>) dst(%dma_wait3A_511 : memref<64x64xf32, #tpu.memory_space<hbm>>)
      } else {
      }
      %dma_start3A = arith.constant 0 : i32
      %dma_start3A_129 = arith.constant 0 : i32
      %dma_start3A_130 = arith.constant 0 : i32
      %dma_start3A_131 = arith.constant 0 : i32
      %dma_start3A_132 = tpu.memref_slice %arg6[%dma_start3A, %dma_start3A_130, %dma_start3A_131] : memref<5x128x64xf32, #tpu.memory_space<vmem>> -> memref<1x128x64xf32, #tpu.memory_space<vmem>>
      %dma_start3A_133 = tpu.memref_squeeze %dma_start3A_132 : memref<1x128x64xf32, #tpu.memory_space<vmem>> -> memref<128x64xf32, #tpu.memory_space<vmem>>
      %dma_start3A_134 = arith.constant 0 : i32
      %dma_start3A_135 = tpu.memref_slice %arg5[%add3A_101, %dma_start3A_134] : memref<50x128xi32, #tpu.memory_space<vmem>> -> memref<1x128xi32, #tpu.memory_space<vmem>>
      %dma_start3A_136 = tpu.memref_squeeze %dma_start3A_135 : memref<1x128xi32, #tpu.memory_space<vmem>> -> memref<128xi32, #tpu.memory_space<vmem>>
      %dma_start3A_137 = arith.constant 0 : i32
      %dma_start3A_138 = arith.constant 0 : i32
      %dma_start3A_139 = tpu.memref_slice %arg3[%dma_start3A_137, %dma_start3A_138] : memref<1001472x64xf32, #tpu.memory_space<hbm>> -> memref<1001472x64xf32, #tpu.memory_space<hbm>>
      %dma_start3A_140 = tpu.memref_slice %arg7[%dma_start3A_129] : memref<5x!tpu.dma_semaphore, #tpu.memory_space<semaphore_mem>> -> memref<1x!tpu.dma_semaphore, #tpu.memory_space<semaphore_mem>>
      %dma_start3A_141 = tpu.memref_squeeze %dma_start3A_140 : memref<1x!tpu.dma_semaphore, #tpu.memory_space<semaphore_mem>> -> memref<!tpu.dma_semaphore, #tpu.memory_space<semaphore_mem>>
      tpu.enqueue_indirect_dma source(%dma_start3A_139 : memref<1001472x64xf32, #tpu.memory_space<hbm>>) target(%dma_start3A_133 : memref<128x64xf32, #tpu.memory_space<vmem>>) offsets(%dma_start3A_136 : memref<128xi32, #tpu.memory_space<vmem>>) semaphore(%dma_start3A_141 : memref<!tpu.dma_semaphore, #tpu.memory_space<semaphore_mem>>)
      %add3A_142 = arith.constant 1 : i32
      %add3A_143 = arith.addi %mul3A_99, %add3A_142 : i32
      %sub3A_144 = arith.constant 5 : i32
      %sub3A_145 = arith.subi %add3A_143, %sub3A_144 : i32
      %mul3A_146 = arith.constant 128 : i32
      %mul3A_147 = arith.muli %sub3A_145, %mul3A_146 : i32
      %add3A_148 = arith.addi %mul3A_2, %mul3A_147 : i32
      %gt3A_149 = arith.constant 0 : i32
      %gt3A_150 = arith.cmpi sgt, %scan3A_97, %gt3A_149 : i32
      %add3A_151 = arith.constant 128 : i32
      %add3A_152 = arith.addi %add3A_148, %add3A_151 : i32
      %le3A_153 = arith.constant 200000 : i32
      %le3A_154 = arith.cmpi sle, %add3A_152, %le3A_153 : i32
      %and3A_155 = arith.andi %gt3A_150, %le3A_154 : i1
      %convert_element_type3A_156 = arith.extui %and3A_155 : i1 to i32
      %cond3A_157 = arith.constant 0 : i32
      %cond3A_158 = arith.cmpi ne, %convert_element_type3A_156, %cond3A_157 : i32
      scf.if %cond3A_158 {
        %mul3A_497 = arith.constant 128 : i32
        %mul3A_498 = arith.muli %sub3A_145, %mul3A_497 : i32
        %add3A_499 = arith.addi %mul3A_2, %mul3A_498 : i32
        %dma_wait3A_500 = arith.constant 1 : i32
        %dma_wait3A_501 = arith.constant 1 : i32
        %dma_wait3A_502 = arith.constant 0 : i32
        %dma_wait3A_503 = arith.constant 0 : i32
        %dma_wait3A_504 = tpu.memref_slice %arg6[%dma_wait3A_500, %dma_wait3A_502, %dma_wait3A_503] : memref<5x128x64xf32, #tpu.memory_space<vmem>> -> memref<1x128x64xf32, #tpu.memory_space<vmem>>
        %dma_wait3A_505 = tpu.memref_squeeze %dma_wait3A_504 : memref<1x128x64xf32, #tpu.memory_space<vmem>> -> memref<128x64xf32, #tpu.memory_space<vmem>>
        %dma_wait3A_506 = arith.constant 0 : i32
        %dma_wait3A_507 = tpu.memref_slice %arg4[%add3A_499, %dma_wait3A_506] : memref<200000x64xf32, #tpu.memory_space<hbm>> -> memref<128x64xf32, #tpu.memory_space<hbm>>
        %dma_wait3A_508 = tpu.memref_slice %arg8[%dma_wait3A_501] : memref<5x!tpu.dma_semaphore, #tpu.memory_space<semaphore_mem>> -> memref<1x!tpu.dma_semaphore, #tpu.memory_space<semaphore_mem>>
        %dma_wait3A_509 = tpu.memref_squeeze %dma_wait3A_508 : memref<1x!tpu.dma_semaphore, #tpu.memory_space<semaphore_mem>> -> memref<!tpu.dma_semaphore, #tpu.memory_space<semaphore_mem>>
        %dma_wait3A_510 = arith.constant 0 : i32
        %dma_wait3A_511 = tpu.memref_slice %arg4[%add3A_499, %dma_wait3A_510] : memref<200000x64xf32, #tpu.memory_space<hbm>> -> memref<128x64xf32, #tpu.memory_space<hbm>>
        %dma_wait3A_512 = arith.constant 0 : i32
        %dma_wait3A_513 = arith.constant 0 : i32
        %dma_wait3A_514 = tpu.memref_slice %arg6[%dma_wait3A_500, %dma_wait3A_512, %dma_wait3A_513] : memref<5x128x64xf32, #tpu.memory_space<vmem>> -> memref<1x128x64xf32, #tpu.memory_space<vmem>>
        %dma_wait3A_515 = tpu.memref_squeeze %dma_wait3A_514 : memref<1x128x64xf32, #tpu.memory_space<vmem>> -> memref<128x64xf32, #tpu.memory_space<vmem>>
        tpu.wait_dma2 semaphore(%dma_wait3A_509 : memref<!tpu.dma_semaphore, #tpu.memory_space<semaphore_mem>>) src(%dma_wait3A_515 : memref<128x64xf32, #tpu.memory_space<vmem>>) dst(%dma_wait3A_511 : memref<128x64xf32, #tpu.memory_space<hbm>>)
      } else {
      }
      %gt3A_159 = arith.constant 0 : i32
      %gt3A_160 = arith.cmpi sgt, %scan3A_97, %gt3A_159 : i32
      %lt3A_161 = arith.constant 200000 : i32
      %lt3A_162 = arith.cmpi slt, %add3A_148, %lt3A_161 : i32
      %and3A_163 = arith.andi %gt3A_160, %lt3A_162 : i1
      %add3A_164 = arith.constant 128 : i32
      %add3A_165 = arith.addi %add3A_148, %add3A_164 : i32
      %gt3A_166 = arith.constant 200000 : i32
      %gt3A_167 = arith.cmpi sgt, %add3A_165, %gt3A_166 : i32
      %and3A_168 = arith.andi %and3A_163, %gt3A_167 : i1
      %convert_element_type3A_169 = arith.extui %and3A_168 : i1 to i32
      %cond3A_170 = arith.constant 0 : i32
      %cond3A_171 = arith.cmpi ne, %convert_element_type3A_169, %cond3A_170 : i32
      scf.if %cond3A_171 {
        %mul3A_497 = arith.constant 128 : i32
        %mul3A_498 = arith.muli %sub3A_145, %mul3A_497 : i32
        %add3A_499 = arith.addi %mul3A_2, %mul3A_498 : i32
        %dma_wait3A_500 = arith.constant 1 : i32
        %dma_wait3A_501 = arith.constant 1 : i32
        %dma_wait3A_502 = arith.constant 0 : i32
        %dma_wait3A_503 = arith.constant 0 : i32
        %dma_wait3A_504 = tpu.memref_slice %arg6[%dma_wait3A_500, %dma_wait3A_502, %dma_wait3A_503] : memref<5x128x64xf32, #tpu.memory_space<vmem>> -> memref<1x64x64xf32, #tpu.memory_space<vmem>>
        %dma_wait3A_505 = tpu.memref_squeeze %dma_wait3A_504 : memref<1x64x64xf32, #tpu.memory_space<vmem>> -> memref<64x64xf32, #tpu.memory_space<vmem>>
        %dma_wait3A_506 = arith.constant 0 : i32
        %dma_wait3A_507 = tpu.memref_slice %arg4[%add3A_499, %dma_wait3A_506] : memref<200000x64xf32, #tpu.memory_space<hbm>> -> memref<64x64xf32, #tpu.memory_space<hbm>>
        %dma_wait3A_508 = tpu.memref_slice %arg8[%dma_wait3A_501] : memref<5x!tpu.dma_semaphore, #tpu.memory_space<semaphore_mem>> -> memref<1x!tpu.dma_semaphore, #tpu.memory_space<semaphore_mem>>
        %dma_wait3A_509 = tpu.memref_squeeze %dma_wait3A_508 : memref<1x!tpu.dma_semaphore, #tpu.memory_space<semaphore_mem>> -> memref<!tpu.dma_semaphore, #tpu.memory_space<semaphore_mem>>
        %dma_wait3A_510 = arith.constant 0 : i32
        %dma_wait3A_511 = tpu.memref_slice %arg4[%add3A_499, %dma_wait3A_510] : memref<200000x64xf32, #tpu.memory_space<hbm>> -> memref<64x64xf32, #tpu.memory_space<hbm>>
        %dma_wait3A_512 = arith.constant 0 : i32
        %dma_wait3A_513 = arith.constant 0 : i32
        %dma_wait3A_514 = tpu.memref_slice %arg6[%dma_wait3A_500, %dma_wait3A_512, %dma_wait3A_513] : memref<5x128x64xf32, #tpu.memory_space<vmem>> -> memref<1x64x64xf32, #tpu.memory_space<vmem>>
        %dma_wait3A_515 = tpu.memref_squeeze %dma_wait3A_514 : memref<1x64x64xf32, #tpu.memory_space<vmem>> -> memref<64x64xf32, #tpu.memory_space<vmem>>
        tpu.wait_dma2 semaphore(%dma_wait3A_509 : memref<!tpu.dma_semaphore, #tpu.memory_space<semaphore_mem>>) src(%dma_wait3A_515 : memref<64x64xf32, #tpu.memory_space<vmem>>) dst(%dma_wait3A_511 : memref<64x64xf32, #tpu.memory_space<hbm>>)
      } else {
      }
      %dma_start3A_172 = arith.constant 1 : i32
      %dma_start3A_173 = arith.constant 1 : i32
      %dma_start3A_174 = arith.constant 0 : i32
      %dma_start3A_175 = arith.constant 0 : i32
      %dma_start3A_176 = tpu.memref_slice %arg6[%dma_start3A_172, %dma_start3A_174, %dma_start3A_175] : memref<5x128x64xf32, #tpu.memory_space<vmem>> -> memref<1x128x64xf32, #tpu.memory_space<vmem>>
      %dma_start3A_177 = tpu.memref_squeeze %dma_start3A_176 : memref<1x128x64xf32, #tpu.memory_space<vmem>> -> memref<128x64xf32, #tpu.memory_space<vmem>>
      %dma_start3A_178 = arith.constant 0 : i32
      %dma_start3A_179 = tpu.memref_slice %arg5[%add3A_143, %dma_start3A_178] : memref<50x128xi32, #tpu.memory_space<vmem>> -> memref<1x128xi32, #tpu.memory_space<vmem>>
      %dma_start3A_180 = tpu.memref_squeeze %dma_start3A_179 : memref<1x128xi32, #tpu.memory_space<vmem>> -> memref<128xi32, #tpu.memory_space<vmem>>
      %dma_start3A_181 = arith.constant 0 : i32
      %dma_start3A_182 = arith.constant 0 : i32
      %dma_start3A_183 = tpu.memref_slice %arg3[%dma_start3A_181, %dma_start3A_182] : memref<1001472x64xf32, #tpu.memory_space<hbm>> -> memref<1001472x64xf32, #tpu.memory_space<hbm>>
      %dma_start3A_184 = tpu.memref_slice %arg7[%dma_start3A_173] : memref<5x!tpu.dma_semaphore, #tpu.memory_space<semaphore_mem>> -> memref<1x!tpu.dma_semaphore, #tpu.memory_space<semaphore_mem>>
      %dma_start3A_185 = tpu.memref_squeeze %dma_start3A_184 : memref<1x!tpu.dma_semaphore, #tpu.memory_space<semaphore_mem>> -> memref<!tpu.dma_semaphore, #tpu.memory_space<semaphore_mem>>
      tpu.enqueue_indirect_dma source(%dma_start3A_183 : memref<1001472x64xf32, #tpu.memory_space<hbm>>) target(%dma_start3A_177 : memref<128x64xf32, #tpu.memory_space<vmem>>) offsets(%dma_start3A_180 : memref<128xi32, #tpu.memory_space<vmem>>) semaphore(%dma_start3A_185 : memref<!tpu.dma_semaphore, #tpu.memory_space<semaphore_mem>>)
      %add3A_186 = arith.constant 2 : i32
      %add3A_187 = arith.addi %mul3A_99, %add3A_186 : i32
      %sub3A_188 = arith.constant 5 : i32
      %sub3A_189 = arith.subi %add3A_187, %sub3A_188 : i32
      %mul3A_190 = arith.constant 128 : i32
      %mul3A_191 = arith.muli %sub3A_189, %mul3A_190 : i32
      %add3A_192 = arith.addi %mul3A_2, %mul3A_191 : i32
      %gt3A_193 = arith.constant 0 : i32
      %gt3A_194 = arith.cmpi sgt, %scan3A_97, %gt3A_193 : i32
      %add3A_195 = arith.constant 128 : i32
      %add3A_196 = arith.addi %add3A_192, %add3A_195 : i32
      %le3A_197 = arith.constant 200000 : i32
      %le3A_198 = arith.cmpi sle, %add3A_196, %le3A_197 : i32
      %and3A_199 = arith.andi %gt3A_194, %le3A_198 : i1
      %convert_element_type3A_200 = arith.extui %and3A_199 : i1 to i32
      %cond3A_201 = arith.constant 0 : i32
      %cond3A_202 = arith.cmpi ne, %convert_element_type3A_200, %cond3A_201 : i32
      scf.if %cond3A_202 {
        %mul3A_497 = arith.constant 128 : i32
        %mul3A_498 = arith.muli %sub3A_189, %mul3A_497 : i32
        %add3A_499 = arith.addi %mul3A_2, %mul3A_498 : i32
        %dma_wait3A_500 = arith.constant 2 : i32
        %dma_wait3A_501 = arith.constant 2 : i32
        %dma_wait3A_502 = arith.constant 0 : i32
        %dma_wait3A_503 = arith.constant 0 : i32
        %dma_wait3A_504 = tpu.memref_slice %arg6[%dma_wait3A_500, %dma_wait3A_502, %dma_wait3A_503] : memref<5x128x64xf32, #tpu.memory_space<vmem>> -> memref<1x128x64xf32, #tpu.memory_space<vmem>>
        %dma_wait3A_505 = tpu.memref_squeeze %dma_wait3A_504 : memref<1x128x64xf32, #tpu.memory_space<vmem>> -> memref<128x64xf32, #tpu.memory_space<vmem>>
        %dma_wait3A_506 = arith.constant 0 : i32
        %dma_wait3A_507 = tpu.memref_slice %arg4[%add3A_499, %dma_wait3A_506] : memref<200000x64xf32, #tpu.memory_space<hbm>> -> memref<128x64xf32, #tpu.memory_space<hbm>>
        %dma_wait3A_508 = tpu.memref_slice %arg8[%dma_wait3A_501] : memref<5x!tpu.dma_semaphore, #tpu.memory_space<semaphore_mem>> -> memref<1x!tpu.dma_semaphore, #tpu.memory_space<semaphore_mem>>
        %dma_wait3A_509 = tpu.memref_squeeze %dma_wait3A_508 : memref<1x!tpu.dma_semaphore, #tpu.memory_space<semaphore_mem>> -> memref<!tpu.dma_semaphore, #tpu.memory_space<semaphore_mem>>
        %dma_wait3A_510 = arith.constant 0 : i32
        %dma_wait3A_511 = tpu.memref_slice %arg4[%add3A_499, %dma_wait3A_510] : memref<200000x64xf32, #tpu.memory_space<hbm>> -> memref<128x64xf32, #tpu.memory_space<hbm>>
        %dma_wait3A_512 = arith.constant 0 : i32
        %dma_wait3A_513 = arith.constant 0 : i32
        %dma_wait3A_514 = tpu.memref_slice %arg6[%dma_wait3A_500, %dma_wait3A_512, %dma_wait3A_513] : memref<5x128x64xf32, #tpu.memory_space<vmem>> -> memref<1x128x64xf32, #tpu.memory_space<vmem>>
        %dma_wait3A_515 = tpu.memref_squeeze %dma_wait3A_514 : memref<1x128x64xf32, #tpu.memory_space<vmem>> -> memref<128x64xf32, #tpu.memory_space<vmem>>
        tpu.wait_dma2 semaphore(%dma_wait3A_509 : memref<!tpu.dma_semaphore, #tpu.memory_space<semaphore_mem>>) src(%dma_wait3A_515 : memref<128x64xf32, #tpu.memory_space<vmem>>) dst(%dma_wait3A_511 : memref<128x64xf32, #tpu.memory_space<hbm>>)
      } else {
      }
      %gt3A_203 = arith.constant 0 : i32
      %gt3A_204 = arith.cmpi sgt, %scan3A_97, %gt3A_203 : i32
      %lt3A_205 = arith.constant 200000 : i32
      %lt3A_206 = arith.cmpi slt, %add3A_192, %lt3A_205 : i32
      %and3A_207 = arith.andi %gt3A_204, %lt3A_206 : i1
      %add3A_208 = arith.constant 128 : i32
      %add3A_209 = arith.addi %add3A_192, %add3A_208 : i32
      %gt3A_210 = arith.constant 200000 : i32
      %gt3A_211 = arith.cmpi sgt, %add3A_209, %gt3A_210 : i32
      %and3A_212 = arith.andi %and3A_207, %gt3A_211 : i1
      %convert_element_type3A_213 = arith.extui %and3A_212 : i1 to i32
      %cond3A_214 = arith.constant 0 : i32
      %cond3A_215 = arith.cmpi ne, %convert_element_type3A_213, %cond3A_214 : i32
      scf.if %cond3A_215 {
        %mul3A_497 = arith.constant 128 : i32
        %mul3A_498 = arith.muli %sub3A_189, %mul3A_497 : i32
        %add3A_499 = arith.addi %mul3A_2, %mul3A_498 : i32
        %dma_wait3A_500 = arith.constant 2 : i32
        %dma_wait3A_501 = arith.constant 2 : i32
        %dma_wait3A_502 = arith.constant 0 : i32
        %dma_wait3A_503 = arith.constant 0 : i32
        %dma_wait3A_504 = tpu.memref_slice %arg6[%dma_wait3A_500, %dma_wait3A_502, %dma_wait3A_503] : memref<5x128x64xf32, #tpu.memory_space<vmem>> -> memref<1x64x64xf32, #tpu.memory_space<vmem>>
        %dma_wait3A_505 = tpu.memref_squeeze %dma_wait3A_504 : memref<1x64x64xf32, #tpu.memory_space<vmem>> -> memref<64x64xf32, #tpu.memory_space<vmem>>
        %dma_wait3A_506 = arith.constant 0 : i32
        %dma_wait3A_507 = tpu.memref_slice %arg4[%add3A_499, %dma_wait3A_506] : memref<200000x64xf32, #tpu.memory_space<hbm>> -> memref<64x64xf32, #tpu.memory_space<hbm>>
        %dma_wait3A_508 = tpu.memref_slice %arg8[%dma_wait3A_501] : memref<5x!tpu.dma_semaphore, #tpu.memory_space<semaphore_mem>> -> memref<1x!tpu.dma_semaphore, #tpu.memory_space<semaphore_mem>>
        %dma_wait3A_509 = tpu.memref_squeeze %dma_wait3A_508 : memref<1x!tpu.dma_semaphore, #tpu.memory_space<semaphore_mem>> -> memref<!tpu.dma_semaphore, #tpu.memory_space<semaphore_mem>>
        %dma_wait3A_510 = arith.constant 0 : i32
        %dma_wait3A_511 = tpu.memref_slice %arg4[%add3A_499, %dma_wait3A_510] : memref<200000x64xf32, #tpu.memory_space<hbm>> -> memref<64x64xf32, #tpu.memory_space<hbm>>
        %dma_wait3A_512 = arith.constant 0 : i32
        %dma_wait3A_513 = arith.constant 0 : i32
        %dma_wait3A_514 = tpu.memref_slice %arg6[%dma_wait3A_500, %dma_wait3A_512, %dma_wait3A_513] : memref<5x128x64xf32, #tpu.memory_space<vmem>> -> memref<1x64x64xf32, #tpu.memory_space<vmem>>
        %dma_wait3A_515 = tpu.memref_squeeze %dma_wait3A_514 : memref<1x64x64xf32, #tpu.memory_space<vmem>> -> memref<64x64xf32, #tpu.memory_space<vmem>>
        tpu.wait_dma2 semaphore(%dma_wait3A_509 : memref<!tpu.dma_semaphore, #tpu.memory_space<semaphore_mem>>) src(%dma_wait3A_515 : memref<64x64xf32, #tpu.memory_space<vmem>>) dst(%dma_wait3A_511 : memref<64x64xf32, #tpu.memory_space<hbm>>)
      } else {
      }
      %dma_start3A_216 = arith.constant 2 : i32
      %dma_start3A_217 = arith.constant 2 : i32
      %dma_start3A_218 = arith.constant 0 : i32
      %dma_start3A_219 = arith.constant 0 : i32
      %dma_start3A_220 = tpu.memref_slice %arg6[%dma_start3A_216, %dma_start3A_218, %dma_start3A_219] : memref<5x128x64xf32, #tpu.memory_space<vmem>> -> memref<1x128x64xf32, #tpu.memory_space<vmem>>
      %dma_start3A_221 = tpu.memref_squeeze %dma_start3A_220 : memref<1x128x64xf32, #tpu.memory_space<vmem>> -> memref<128x64xf32, #tpu.memory_space<vmem>>
      %dma_start3A_222 = arith.constant 0 : i32
      %dma_start3A_223 = tpu.memref_slice %arg5[%add3A_187, %dma_start3A_222] : memref<50x128xi32, #tpu.memory_space<vmem>> -> memref<1x128xi32, #tpu.memory_space<vmem>>
      %dma_start3A_224 = tpu.memref_squeeze %dma_start3A_223 : memref<1x128xi32, #tpu.memory_space<vmem>> -> memref<128xi32, #tpu.memory_space<vmem>>
      %dma_start3A_225 = arith.constant 0 : i32
      %dma_start3A_226 = arith.constant 0 : i32
      %dma_start3A_227 = tpu.memref_slice %arg3[%dma_start3A_225, %dma_start3A_226] : memref<1001472x64xf32, #tpu.memory_space<hbm>> -> memref<1001472x64xf32, #tpu.memory_space<hbm>>
      %dma_start3A_228 = tpu.memref_slice %arg7[%dma_start3A_217] : memref<5x!tpu.dma_semaphore, #tpu.memory_space<semaphore_mem>> -> memref<1x!tpu.dma_semaphore, #tpu.memory_space<semaphore_mem>>
      %dma_start3A_229 = tpu.memref_squeeze %dma_start3A_228 : memref<1x!tpu.dma_semaphore, #tpu.memory_space<semaphore_mem>> -> memref<!tpu.dma_semaphore, #tpu.memory_space<semaphore_mem>>
      tpu.enqueue_indirect_dma source(%dma_start3A_227 : memref<1001472x64xf32, #tpu.memory_space<hbm>>) target(%dma_start3A_221 : memref<128x64xf32, #tpu.memory_space<vmem>>) offsets(%dma_start3A_224 : memref<128xi32, #tpu.memory_space<vmem>>) semaphore(%dma_start3A_229 : memref<!tpu.dma_semaphore, #tpu.memory_space<semaphore_mem>>)
      %add3A_230 = arith.constant 3 : i32
      %add3A_231 = arith.addi %mul3A_99, %add3A_230 : i32
      %sub3A_232 = arith.constant 5 : i32
      %sub3A_233 = arith.subi %add3A_231, %sub3A_232 : i32
      %mul3A_234 = arith.constant 128 : i32
      %mul3A_235 = arith.muli %sub3A_233, %mul3A_234 : i32
      %add3A_236 = arith.addi %mul3A_2, %mul3A_235 : i32
      %gt3A_237 = arith.constant 0 : i32
      %gt3A_238 = arith.cmpi sgt, %scan3A_97, %gt3A_237 : i32
      %add3A_239 = arith.constant 128 : i32
      %add3A_240 = arith.addi %add3A_236, %add3A_239 : i32
      %le3A_241 = arith.constant 200000 : i32
      %le3A_242 = arith.cmpi sle, %add3A_240, %le3A_241 : i32
      %and3A_243 = arith.andi %gt3A_238, %le3A_242 : i1
      %convert_element_type3A_244 = arith.extui %and3A_243 : i1 to i32
      %cond3A_245 = arith.constant 0 : i32
      %cond3A_246 = arith.cmpi ne, %convert_element_type3A_244, %cond3A_245 : i32
      scf.if %cond3A_246 {
        %mul3A_497 = arith.constant 128 : i32
        %mul3A_498 = arith.muli %sub3A_233, %mul3A_497 : i32
        %add3A_499 = arith.addi %mul3A_2, %mul3A_498 : i32
        %dma_wait3A_500 = arith.constant 3 : i32
        %dma_wait3A_501 = arith.constant 3 : i32
        %dma_wait3A_502 = arith.constant 0 : i32
        %dma_wait3A_503 = arith.constant 0 : i32
        %dma_wait3A_504 = tpu.memref_slice %arg6[%dma_wait3A_500, %dma_wait3A_502, %dma_wait3A_503] : memref<5x128x64xf32, #tpu.memory_space<vmem>> -> memref<1x128x64xf32, #tpu.memory_space<vmem>>
        %dma_wait3A_505 = tpu.memref_squeeze %dma_wait3A_504 : memref<1x128x64xf32, #tpu.memory_space<vmem>> -> memref<128x64xf32, #tpu.memory_space<vmem>>
        %dma_wait3A_506 = arith.constant 0 : i32
        %dma_wait3A_507 = tpu.memref_slice %arg4[%add3A_499, %dma_wait3A_506] : memref<200000x64xf32, #tpu.memory_space<hbm>> -> memref<128x64xf32, #tpu.memory_space<hbm>>
        %dma_wait3A_508 = tpu.memref_slice %arg8[%dma_wait3A_501] : memref<5x!tpu.dma_semaphore, #tpu.memory_space<semaphore_mem>> -> memref<1x!tpu.dma_semaphore, #tpu.memory_space<semaphore_mem>>
        %dma_wait3A_509 = tpu.memref_squeeze %dma_wait3A_508 : memref<1x!tpu.dma_semaphore, #tpu.memory_space<semaphore_mem>> -> memref<!tpu.dma_semaphore, #tpu.memory_space<semaphore_mem>>
        %dma_wait3A_510 = arith.constant 0 : i32
        %dma_wait3A_511 = tpu.memref_slice %arg4[%add3A_499, %dma_wait3A_510] : memref<200000x64xf32, #tpu.memory_space<hbm>> -> memref<128x64xf32, #tpu.memory_space<hbm>>
        %dma_wait3A_512 = arith.constant 0 : i32
        %dma_wait3A_513 = arith.constant 0 : i32
        %dma_wait3A_514 = tpu.memref_slice %arg6[%dma_wait3A_500, %dma_wait3A_512, %dma_wait3A_513] : memref<5x128x64xf32, #tpu.memory_space<vmem>> -> memref<1x128x64xf32, #tpu.memory_space<vmem>>
        %dma_wait3A_515 = tpu.memref_squeeze %dma_wait3A_514 : memref<1x128x64xf32, #tpu.memory_space<vmem>> -> memref<128x64xf32, #tpu.memory_space<vmem>>
        tpu.wait_dma2 semaphore(%dma_wait3A_509 : memref<!tpu.dma_semaphore, #tpu.memory_space<semaphore_mem>>) src(%dma_wait3A_515 : memref<128x64xf32, #tpu.memory_space<vmem>>) dst(%dma_wait3A_511 : memref<128x64xf32, #tpu.memory_space<hbm>>)
      } else {
      }
      %gt3A_247 = arith.constant 0 : i32
      %gt3A_248 = arith.cmpi sgt, %scan3A_97, %gt3A_247 : i32
      %lt3A_249 = arith.constant 200000 : i32
      %lt3A_250 = arith.cmpi slt, %add3A_236, %lt3A_249 : i32
      %and3A_251 = arith.andi %gt3A_248, %lt3A_250 : i1
      %add3A_252 = arith.constant 128 : i32
      %add3A_253 = arith.addi %add3A_236, %add3A_252 : i32
      %gt3A_254 = arith.constant 200000 : i32
      %gt3A_255 = arith.cmpi sgt, %add3A_253, %gt3A_254 : i32
      %and3A_256 = arith.andi %and3A_251, %gt3A_255 : i1
      %convert_element_type3A_257 = arith.extui %and3A_256 : i1 to i32
      %cond3A_258 = arith.constant 0 : i32
      %cond3A_259 = arith.cmpi ne, %convert_element_type3A_257, %cond3A_258 : i32
      scf.if %cond3A_259 {
        %mul3A_497 = arith.constant 128 : i32
        %mul3A_498 = arith.muli %sub3A_233, %mul3A_497 : i32
        %add3A_499 = arith.addi %mul3A_2, %mul3A_498 : i32
        %dma_wait3A_500 = arith.constant 3 : i32
        %dma_wait3A_501 = arith.constant 3 : i32
        %dma_wait3A_502 = arith.constant 0 : i32
        %dma_wait3A_503 = arith.constant 0 : i32
        %dma_wait3A_504 = tpu.memref_slice %arg6[%dma_wait3A_500, %dma_wait3A_502, %dma_wait3A_503] : memref<5x128x64xf32, #tpu.memory_space<vmem>> -> memref<1x64x64xf32, #tpu.memory_space<vmem>>
        %dma_wait3A_505 = tpu.memref_squeeze %dma_wait3A_504 : memref<1x64x64xf32, #tpu.memory_space<vmem>> -> memref<64x64xf32, #tpu.memory_space<vmem>>
        %dma_wait3A_506 = arith.constant 0 : i32
        %dma_wait3A_507 = tpu.memref_slice %arg4[%add3A_499, %dma_wait3A_506] : memref<200000x64xf32, #tpu.memory_space<hbm>> -> memref<64x64xf32, #tpu.memory_space<hbm>>
        %dma_wait3A_508 = tpu.memref_slice %arg8[%dma_wait3A_501] : memref<5x!tpu.dma_semaphore, #tpu.memory_space<semaphore_mem>> -> memref<1x!tpu.dma_semaphore, #tpu.memory_space<semaphore_mem>>
        %dma_wait3A_509 = tpu.memref_squeeze %dma_wait3A_508 : memref<1x!tpu.dma_semaphore, #tpu.memory_space<semaphore_mem>> -> memref<!tpu.dma_semaphore, #tpu.memory_space<semaphore_mem>>
        %dma_wait3A_510 = arith.constant 0 : i32
        %dma_wait3A_511 = tpu.memref_slice %arg4[%add3A_499, %dma_wait3A_510] : memref<200000x64xf32, #tpu.memory_space<hbm>> -> memref<64x64xf32, #tpu.memory_space<hbm>>
        %dma_wait3A_512 = arith.constant 0 : i32
        %dma_wait3A_513 = arith.constant 0 : i32
        %dma_wait3A_514 = tpu.memref_slice %arg6[%dma_wait3A_500, %dma_wait3A_512, %dma_wait3A_513] : memref<5x128x64xf32, #tpu.memory_space<vmem>> -> memref<1x64x64xf32, #tpu.memory_space<vmem>>
        %dma_wait3A_515 = tpu.memref_squeeze %dma_wait3A_514 : memref<1x64x64xf32, #tpu.memory_space<vmem>> -> memref<64x64xf32, #tpu.memory_space<vmem>>
        tpu.wait_dma2 semaphore(%dma_wait3A_509 : memref<!tpu.dma_semaphore, #tpu.memory_space<semaphore_mem>>) src(%dma_wait3A_515 : memref<64x64xf32, #tpu.memory_space<vmem>>) dst(%dma_wait3A_511 : memref<64x64xf32, #tpu.memory_space<hbm>>)
      } else {
      }
      %dma_start3A_260 = arith.constant 3 : i32
      %dma_start3A_261 = arith.constant 3 : i32
      %dma_start3A_262 = arith.constant 0 : i32
      %dma_start3A_263 = arith.constant 0 : i32
      %dma_start3A_264 = tpu.memref_slice %arg6[%dma_start3A_260, %dma_start3A_262, %dma_start3A_263] : memref<5x128x64xf32, #tpu.memory_space<vmem>> -> memref<1x128x64xf32, #tpu.memory_space<vmem>>
      %dma_start3A_265 = tpu.memref_squeeze %dma_start3A_264 : memref<1x128x64xf32, #tpu.memory_space<vmem>> -> memref<128x64xf32, #tpu.memory_space<vmem>>
      %dma_start3A_266 = arith.constant 0 : i32
      %dma_start3A_267 = tpu.memref_slice %arg5[%add3A_231, %dma_start3A_266] : memref<50x128xi32, #tpu.memory_space<vmem>> -> memref<1x128xi32, #tpu.memory_space<vmem>>
      %dma_start3A_268 = tpu.memref_squeeze %dma_start3A_267 : memref<1x128xi32, #tpu.memory_space<vmem>> -> memref<128xi32, #tpu.memory_space<vmem>>
      %dma_start3A_269 = arith.constant 0 : i32
      %dma_start3A_270 = arith.constant 0 : i32
      %dma_start3A_271 = tpu.memref_slice %arg3[%dma_start3A_269, %dma_start3A_270] : memref<1001472x64xf32, #tpu.memory_space<hbm>> -> memref<1001472x64xf32, #tpu.memory_space<hbm>>
      %dma_start3A_272 = tpu.memref_slice %arg7[%dma_start3A_261] : memref<5x!tpu.dma_semaphore, #tpu.memory_space<semaphore_mem>> -> memref<1x!tpu.dma_semaphore, #tpu.memory_space<semaphore_mem>>
      %dma_start3A_273 = tpu.memref_squeeze %dma_start3A_272 : memref<1x!tpu.dma_semaphore, #tpu.memory_space<semaphore_mem>> -> memref<!tpu.dma_semaphore, #tpu.memory_space<semaphore_mem>>
      tpu.enqueue_indirect_dma source(%dma_start3A_271 : memref<1001472x64xf32, #tpu.memory_space<hbm>>) target(%dma_start3A_265 : memref<128x64xf32, #tpu.memory_space<vmem>>) offsets(%dma_start3A_268 : memref<128xi32, #tpu.memory_space<vmem>>) semaphore(%dma_start3A_273 : memref<!tpu.dma_semaphore, #tpu.memory_space<semaphore_mem>>)
      %add3A_274 = arith.constant 4 : i32
      %add3A_275 = arith.addi %mul3A_99, %add3A_274 : i32
      %sub3A_276 = arith.constant 5 : i32
      %sub3A_277 = arith.subi %add3A_275, %sub3A_276 : i32
      %mul3A_278 = arith.constant 128 : i32
      %mul3A_279 = arith.muli %sub3A_277, %mul3A_278 : i32
      %add3A_280 = arith.addi %mul3A_2, %mul3A_279 : i32
      %gt3A_281 = arith.constant 0 : i32
      %gt3A_282 = arith.cmpi sgt, %scan3A_97, %gt3A_281 : i32
      %add3A_283 = arith.constant 128 : i32
      %add3A_284 = arith.addi %add3A_280, %add3A_283 : i32
      %le3A_285 = arith.constant 200000 : i32
      %le3A_286 = arith.cmpi sle, %add3A_284, %le3A_285 : i32
      %and3A_287 = arith.andi %gt3A_282, %le3A_286 : i1
      %convert_element_type3A_288 = arith.extui %and3A_287 : i1 to i32
      %cond3A_289 = arith.constant 0 : i32
      %cond3A_290 = arith.cmpi ne, %convert_element_type3A_288, %cond3A_289 : i32
      scf.if %cond3A_290 {
        %mul3A_497 = arith.constant 128 : i32
        %mul3A_498 = arith.muli %sub3A_277, %mul3A_497 : i32
        %add3A_499 = arith.addi %mul3A_2, %mul3A_498 : i32
        %dma_wait3A_500 = arith.constant 4 : i32
        %dma_wait3A_501 = arith.constant 4 : i32
        %dma_wait3A_502 = arith.constant 0 : i32
        %dma_wait3A_503 = arith.constant 0 : i32
        %dma_wait3A_504 = tpu.memref_slice %arg6[%dma_wait3A_500, %dma_wait3A_502, %dma_wait3A_503] : memref<5x128x64xf32, #tpu.memory_space<vmem>> -> memref<1x128x64xf32, #tpu.memory_space<vmem>>
        %dma_wait3A_505 = tpu.memref_squeeze %dma_wait3A_504 : memref<1x128x64xf32, #tpu.memory_space<vmem>> -> memref<128x64xf32, #tpu.memory_space<vmem>>
        %dma_wait3A_506 = arith.constant 0 : i32
        %dma_wait3A_507 = tpu.memref_slice %arg4[%add3A_499, %dma_wait3A_506] : memref<200000x64xf32, #tpu.memory_space<hbm>> -> memref<128x64xf32, #tpu.memory_space<hbm>>
        %dma_wait3A_508 = tpu.memref_slice %arg8[%dma_wait3A_501] : memref<5x!tpu.dma_semaphore, #tpu.memory_space<semaphore_mem>> -> memref<1x!tpu.dma_semaphore, #tpu.memory_space<semaphore_mem>>
        %dma_wait3A_509 = tpu.memref_squeeze %dma_wait3A_508 : memref<1x!tpu.dma_semaphore, #tpu.memory_space<semaphore_mem>> -> memref<!tpu.dma_semaphore, #tpu.memory_space<semaphore_mem>>
        %dma_wait3A_510 = arith.constant 0 : i32
        %dma_wait3A_511 = tpu.memref_slice %arg4[%add3A_499, %dma_wait3A_510] : memref<200000x64xf32, #tpu.memory_space<hbm>> -> memref<128x64xf32, #tpu.memory_space<hbm>>
        %dma_wait3A_512 = arith.constant 0 : i32
        %dma_wait3A_513 = arith.constant 0 : i32
        %dma_wait3A_514 = tpu.memref_slice %arg6[%dma_wait3A_500, %dma_wait3A_512, %dma_wait3A_513] : memref<5x128x64xf32, #tpu.memory_space<vmem>> -> memref<1x128x64xf32, #tpu.memory_space<vmem>>
        %dma_wait3A_515 = tpu.memref_squeeze %dma_wait3A_514 : memref<1x128x64xf32, #tpu.memory_space<vmem>> -> memref<128x64xf32, #tpu.memory_space<vmem>>
        tpu.wait_dma2 semaphore(%dma_wait3A_509 : memref<!tpu.dma_semaphore, #tpu.memory_space<semaphore_mem>>) src(%dma_wait3A_515 : memref<128x64xf32, #tpu.memory_space<vmem>>) dst(%dma_wait3A_511 : memref<128x64xf32, #tpu.memory_space<hbm>>)
      } else {
      }
      %gt3A_291 = arith.constant 0 : i32
      %gt3A_292 = arith.cmpi sgt, %scan3A_97, %gt3A_291 : i32
      %lt3A_293 = arith.constant 200000 : i32
      %lt3A_294 = arith.cmpi slt, %add3A_280, %lt3A_293 : i32
      %and3A_295 = arith.andi %gt3A_292, %lt3A_294 : i1
      %add3A_296 = arith.constant 128 : i32
      %add3A_297 = arith.addi %add3A_280, %add3A_296 : i32
      %gt3A_298 = arith.constant 200000 : i32
      %gt3A_299 = arith.cmpi sgt, %add3A_297, %gt3A_298 : i32
      %and3A_300 = arith.andi %and3A_295, %gt3A_299 : i1
      %convert_element_type3A_301 = arith.extui %and3A_300 : i1 to i32
      %cond3A_302 = arith.constant 0 : i32
      %cond3A_303 = arith.cmpi ne, %convert_element_type3A_301, %cond3A_302 : i32
      scf.if %cond3A_303 {
        %mul3A_497 = arith.constant 128 : i32
        %mul3A_498 = arith.muli %sub3A_277, %mul3A_497 : i32
        %add3A_499 = arith.addi %mul3A_2, %mul3A_498 : i32
        %dma_wait3A_500 = arith.constant 4 : i32
        %dma_wait3A_501 = arith.constant 4 : i32
        %dma_wait3A_502 = arith.constant 0 : i32
        %dma_wait3A_503 = arith.constant 0 : i32
        %dma_wait3A_504 = tpu.memref_slice %arg6[%dma_wait3A_500, %dma_wait3A_502, %dma_wait3A_503] : memref<5x128x64xf32, #tpu.memory_space<vmem>> -> memref<1x64x64xf32, #tpu.memory_space<vmem>>
        %dma_wait3A_505 = tpu.memref_squeeze %dma_wait3A_504 : memref<1x64x64xf32, #tpu.memory_space<vmem>> -> memref<64x64xf32, #tpu.memory_space<vmem>>
        %dma_wait3A_506 = arith.constant 0 : i32
        %dma_wait3A_507 = tpu.memref_slice %arg4[%add3A_499, %dma_wait3A_506] : memref<200000x64xf32, #tpu.memory_space<hbm>> -> memref<64x64xf32, #tpu.memory_space<hbm>>
        %dma_wait3A_508 = tpu.memref_slice %arg8[%dma_wait3A_501] : memref<5x!tpu.dma_semaphore, #tpu.memory_space<semaphore_mem>> -> memref<1x!tpu.dma_semaphore, #tpu.memory_space<semaphore_mem>>
        %dma_wait3A_509 = tpu.memref_squeeze %dma_wait3A_508 : memref<1x!tpu.dma_semaphore, #tpu.memory_space<semaphore_mem>> -> memref<!tpu.dma_semaphore, #tpu.memory_space<semaphore_mem>>
        %dma_wait3A_510 = arith.constant 0 : i32
        %dma_wait3A_511 = tpu.memref_slice %arg4[%add3A_499, %dma_wait3A_510] : memref<200000x64xf32, #tpu.memory_space<hbm>> -> memref<64x64xf32, #tpu.memory_space<hbm>>
        %dma_wait3A_512 = arith.constant 0 : i32
        %dma_wait3A_513 = arith.constant 0 : i32
        %dma_wait3A_514 = tpu.memref_slice %arg6[%dma_wait3A_500, %dma_wait3A_512, %dma_wait3A_513] : memref<5x128x64xf32, #tpu.memory_space<vmem>> -> memref<1x64x64xf32, #tpu.memory_space<vmem>>
        %dma_wait3A_515 = tpu.memref_squeeze %dma_wait3A_514 : memref<1x64x64xf32, #tpu.memory_space<vmem>> -> memref<64x64xf32, #tpu.memory_space<vmem>>
        tpu.wait_dma2 semaphore(%dma_wait3A_509 : memref<!tpu.dma_semaphore, #tpu.memory_space<semaphore_mem>>) src(%dma_wait3A_515 : memref<64x64xf32, #tpu.memory_space<vmem>>) dst(%dma_wait3A_511 : memref<64x64xf32, #tpu.memory_space<hbm>>)
      } else {
      }
      %dma_start3A_304 = arith.constant 4 : i32
      %dma_start3A_305 = arith.constant 4 : i32
      %dma_start3A_306 = arith.constant 0 : i32
      %dma_start3A_307 = arith.constant 0 : i32
      %dma_start3A_308 = tpu.memref_slice %arg6[%dma_start3A_304, %dma_start3A_306, %dma_start3A_307] : memref<5x128x64xf32, #tpu.memory_space<vmem>> -> memref<1x128x64xf32, #tpu.memory_space<vmem>>
      %dma_start3A_309 = tpu.memref_squeeze %dma_start3A_308 : memref<1x128x64xf32, #tpu.memory_space<vmem>> -> memref<128x64xf32, #tpu.memory_space<vmem>>
      %dma_start3A_310 = arith.constant 0 : i32
      %dma_start3A_311 = tpu.memref_slice %arg5[%add3A_275, %dma_start3A_310] : memref<50x128xi32, #tpu.memory_space<vmem>> -> memref<1x128xi32, #tpu.memory_space<vmem>>
      %dma_start3A_312 = tpu.memref_squeeze %dma_start3A_311 : memref<1x128xi32, #tpu.memory_space<vmem>> -> memref<128xi32, #tpu.memory_space<vmem>>
      %dma_start3A_313 = arith.constant 0 : i32
      %dma_start3A_314 = arith.constant 0 : i32
      %dma_start3A_315 = tpu.memref_slice %arg3[%dma_start3A_313, %dma_start3A_314] : memref<1001472x64xf32, #tpu.memory_space<hbm>> -> memref<1001472x64xf32, #tpu.memory_space<hbm>>
      %dma_start3A_316 = tpu.memref_slice %arg7[%dma_start3A_305] : memref<5x!tpu.dma_semaphore, #tpu.memory_space<semaphore_mem>> -> memref<1x!tpu.dma_semaphore, #tpu.memory_space<semaphore_mem>>
      %dma_start3A_317 = tpu.memref_squeeze %dma_start3A_316 : memref<1x!tpu.dma_semaphore, #tpu.memory_space<semaphore_mem>> -> memref<!tpu.dma_semaphore, #tpu.memory_space<semaphore_mem>>
      tpu.enqueue_indirect_dma source(%dma_start3A_315 : memref<1001472x64xf32, #tpu.memory_space<hbm>>) target(%dma_start3A_309 : memref<128x64xf32, #tpu.memory_space<vmem>>) offsets(%dma_start3A_312 : memref<128xi32, #tpu.memory_space<vmem>>) semaphore(%dma_start3A_317 : memref<!tpu.dma_semaphore, #tpu.memory_space<semaphore_mem>>)
      %add3A_318 = arith.constant 0 : i32
      %add3A_319 = arith.addi %mul3A_99, %add3A_318 : i32
      %mul3A_320 = arith.constant 128 : i32
      %mul3A_321 = arith.muli %add3A_319, %mul3A_320 : i32
      %add3A_322 = arith.addi %mul3A_2, %mul3A_321 : i32
      %dma_wait3A = arith.constant 0 : i32
      %dma_wait3A_323 = arith.constant 0 : i32
      %dma_wait3A_324 = arith.constant 0 : i32
      %dma_wait3A_325 = arith.constant 0 : i32
      %dma_wait3A_326 = tpu.memref_slice %arg6[%dma_wait3A, %dma_wait3A_324, %dma_wait3A_325] : memref<5x128x64xf32, #tpu.memory_space<vmem>> -> memref<1x128x64xf32, #tpu.memory_space<vmem>>
      %dma_wait3A_327 = tpu.memref_squeeze %dma_wait3A_326 : memref<1x128x64xf32, #tpu.memory_space<vmem>> -> memref<128x64xf32, #tpu.memory_space<vmem>>
      %dma_wait3A_328 = arith.constant 0 : i32
      %dma_wait3A_329 = tpu.memref_slice %arg5[%add3A_319, %dma_wait3A_328] : memref<50x128xi32, #tpu.memory_space<vmem>> -> memref<1x128xi32, #tpu.memory_space<vmem>>
      %dma_wait3A_330 = tpu.memref_squeeze %dma_wait3A_329 : memref<1x128xi32, #tpu.memory_space<vmem>> -> memref<128xi32, #tpu.memory_space<vmem>>
      %dma_wait3A_331 = arith.constant 0 : i32
      %dma_wait3A_332 = arith.constant 0 : i32
      %dma_wait3A_333 = tpu.memref_slice %arg3[%dma_wait3A_331, %dma_wait3A_332] : memref<1001472x64xf32, #tpu.memory_space<hbm>> -> memref<1001472x64xf32, #tpu.memory_space<hbm>>
      %dma_wait3A_334 = tpu.memref_slice %arg7[%dma_wait3A_323] : memref<5x!tpu.dma_semaphore, #tpu.memory_space<semaphore_mem>> -> memref<1x!tpu.dma_semaphore, #tpu.memory_space<semaphore_mem>>
      %dma_wait3A_335 = tpu.memref_squeeze %dma_wait3A_334 : memref<1x!tpu.dma_semaphore, #tpu.memory_space<semaphore_mem>> -> memref<!tpu.dma_semaphore, #tpu.memory_space<semaphore_mem>>
      tpu.wait_indirect_dma semaphore(%dma_wait3A_335 : memref<!tpu.dma_semaphore, #tpu.memory_space<semaphore_mem>>) src(%dma_wait3A_333 : memref<1001472x64xf32, #tpu.memory_space<hbm>>) dst(%dma_wait3A_327 : memref<128x64xf32, #tpu.memory_space<vmem>>)
      %add3A_336 = arith.constant 128 : i32
      %add3A_337 = arith.addi %add3A_322, %add3A_336 : i32
      %le3A_338 = arith.constant 200000 : i32
      %le3A_339 = arith.cmpi sle, %add3A_337, %le3A_338 : i32
      %convert_element_type3A_340 = arith.extui %le3A_339 : i1 to i32
      %cond3A_341 = arith.constant 0 : i32
      %cond3A_342 = arith.cmpi ne, %convert_element_type3A_340, %cond3A_341 : i32
      scf.if %cond3A_342 {
        %mul3A_497 = arith.constant 128 : i32
        %mul3A_498 = arith.muli %add3A_319, %mul3A_497 : i32
        %add3A_499 = arith.addi %mul3A_2, %mul3A_498 : i32
        %dma_start3A_500 = arith.constant 0 : i32
        %dma_start3A_501 = arith.constant 0 : i32
        %dma_start3A_502 = arith.constant 0 : i32
        %dma_start3A_503 = arith.constant 0 : i32
        %dma_start3A_504 = tpu.memref_slice %arg6[%dma_start3A_500, %dma_start3A_502, %dma_start3A_503] : memref<5x128x64xf32, #tpu.memory_space<vmem>> -> memref<1x128x64xf32, #tpu.memory_space<vmem>>
        %dma_start3A_505 = tpu.memref_squeeze %dma_start3A_504 : memref<1x128x64xf32, #tpu.memory_space<vmem>> -> memref<128x64xf32, #tpu.memory_space<vmem>>
        %dma_start3A_506 = arith.constant 0 : i32
        %dma_start3A_507 = tpu.memref_slice %arg4[%add3A_499, %dma_start3A_506] : memref<200000x64xf32, #tpu.memory_space<hbm>> -> memref<128x64xf32, #tpu.memory_space<hbm>>
        %dma_start3A_508 = tpu.memref_slice %arg8[%dma_start3A_501] : memref<5x!tpu.dma_semaphore, #tpu.memory_space<semaphore_mem>> -> memref<1x!tpu.dma_semaphore, #tpu.memory_space<semaphore_mem>>
        %dma_start3A_509 = tpu.memref_squeeze %dma_start3A_508 : memref<1x!tpu.dma_semaphore, #tpu.memory_space<semaphore_mem>> -> memref<!tpu.dma_semaphore, #tpu.memory_space<semaphore_mem>>
        %dma_start3A_510 = arith.constant 0 : i32
        %dma_start3A_511 = tpu.memref_slice %arg4[%add3A_499, %dma_start3A_510] : memref<200000x64xf32, #tpu.memory_space<hbm>> -> memref<128x64xf32, #tpu.memory_space<hbm>>
        %dma_start3A_512 = arith.constant 0 : i32
        %dma_start3A_513 = arith.constant 0 : i32
        %dma_start3A_514 = tpu.memref_slice %arg6[%dma_start3A_500, %dma_start3A_512, %dma_start3A_513] : memref<5x128x64xf32, #tpu.memory_space<vmem>> -> memref<1x128x64xf32, #tpu.memory_space<vmem>>
        %dma_start3A_515 = tpu.memref_squeeze %dma_start3A_514 : memref<1x128x64xf32, #tpu.memory_space<vmem>> -> memref<128x64xf32, #tpu.memory_space<vmem>>
        tpu.enqueue_dma source(%dma_start3A_515 : memref<128x64xf32, #tpu.memory_space<vmem>>) target(%dma_start3A_511 : memref<128x64xf32, #tpu.memory_space<hbm>>) target_semaphore(%dma_start3A_509 : memref<!tpu.dma_semaphore, #tpu.memory_space<semaphore_mem>>)
      } else {
      }
      %lt3A_343 = arith.constant 200000 : i32
      %lt3A_344 = arith.cmpi slt, %add3A_322, %lt3A_343 : i32
      %add3A_345 = arith.constant 128 : i32
      %add3A_346 = arith.addi %add3A_322, %add3A_345 : i32
      %gt3A_347 = arith.constant 200000 : i32
      %gt3A_348 = arith.cmpi sgt, %add3A_346, %gt3A_347 : i32
      %and3A_349 = arith.andi %lt3A_344, %gt3A_348 : i1
      %convert_element_type3A_350 = arith.extui %and3A_349 : i1 to i32
      %cond3A_351 = arith.constant 0 : i32
      %cond3A_352 = arith.cmpi ne, %convert_element_type3A_350, %cond3A_351 : i32
      scf.if %cond3A_352 {
        %mul3A_497 = arith.constant 128 : i32
        %mul3A_498 = arith.muli %add3A_319, %mul3A_497 : i32
        %add3A_499 = arith.addi %mul3A_2, %mul3A_498 : i32
        %dma_start3A_500 = arith.constant 0 : i32
        %dma_start3A_501 = arith.constant 0 : i32
        %dma_start3A_502 = arith.constant 0 : i32
        %dma_start3A_503 = arith.constant 0 : i32
        %dma_start3A_504 = tpu.memref_slice %arg6[%dma_start3A_500, %dma_start3A_502, %dma_start3A_503] : memref<5x128x64xf32, #tpu.memory_space<vmem>> -> memref<1x64x64xf32, #tpu.memory_space<vmem>>
        %dma_start3A_505 = tpu.memref_squeeze %dma_start3A_504 : memref<1x64x64xf32, #tpu.memory_space<vmem>> -> memref<64x64xf32, #tpu.memory_space<vmem>>
        %dma_start3A_506 = arith.constant 0 : i32
        %dma_start3A_507 = tpu.memref_slice %arg4[%add3A_499, %dma_start3A_506] : memref<200000x64xf32, #tpu.memory_space<hbm>> -> memref<64x64xf32, #tpu.memory_space<hbm>>
        %dma_start3A_508 = tpu.memref_slice %arg8[%dma_start3A_501] : memref<5x!tpu.dma_semaphore, #tpu.memory_space<semaphore_mem>> -> memref<1x!tpu.dma_semaphore, #tpu.memory_space<semaphore_mem>>
        %dma_start3A_509 = tpu.memref_squeeze %dma_start3A_508 : memref<1x!tpu.dma_semaphore, #tpu.memory_space<semaphore_mem>> -> memref<!tpu.dma_semaphore, #tpu.memory_space<semaphore_mem>>
        %dma_start3A_510 = arith.constant 0 : i32
        %dma_start3A_511 = tpu.memref_slice %arg4[%add3A_499, %dma_start3A_510] : memref<200000x64xf32, #tpu.memory_space<hbm>> -> memref<64x64xf32, #tpu.memory_space<hbm>>
        %dma_start3A_512 = arith.constant 0 : i32
        %dma_start3A_513 = arith.constant 0 : i32
        %dma_start3A_514 = tpu.memref_slice %arg6[%dma_start3A_500, %dma_start3A_512, %dma_start3A_513] : memref<5x128x64xf32, #tpu.memory_space<vmem>> -> memref<1x64x64xf32, #tpu.memory_space<vmem>>
        %dma_start3A_515 = tpu.memref_squeeze %dma_start3A_514 : memref<1x64x64xf32, #tpu.memory_space<vmem>> -> memref<64x64xf32, #tpu.memory_space<vmem>>
        tpu.enqueue_dma source(%dma_start3A_515 : memref<64x64xf32, #tpu.memory_space<vmem>>) target(%dma_start3A_511 : memref<64x64xf32, #tpu.memory_space<hbm>>) target_semaphore(%dma_start3A_509 : memref<!tpu.dma_semaphore, #tpu.memory_space<semaphore_mem>>)
      } else {
      }
      %add3A_353 = arith.constant 1 : i32
      %add3A_354 = arith.addi %mul3A_99, %add3A_353 : i32
      %mul3A_355 = arith.constant 128 : i32
      %mul3A_356 = arith.muli %add3A_354, %mul3A_355 : i32
      %add3A_357 = arith.addi %mul3A_2, %mul3A_356 : i32
      %dma_wait3A_358 = arith.constant 1 : i32
      %dma_wait3A_359 = arith.constant 1 : i32
      %dma_wait3A_360 = arith.constant 0 : i32
      %dma_wait3A_361 = arith.constant 0 : i32
      %dma_wait3A_362 = tpu.memref_slice %arg6[%dma_wait3A_358, %dma_wait3A_360, %dma_wait3A_361] : memref<5x128x64xf32, #tpu.memory_space<vmem>> -> memref<1x128x64xf32, #tpu.memory_space<vmem>>
      %dma_wait3A_363 = tpu.memref_squeeze %dma_wait3A_362 : memref<1x128x64xf32, #tpu.memory_space<vmem>> -> memref<128x64xf32, #tpu.memory_space<vmem>>
      %dma_wait3A_364 = arith.constant 0 : i32
      %dma_wait3A_365 = tpu.memref_slice %arg5[%add3A_354, %dma_wait3A_364] : memref<50x128xi32, #tpu.memory_space<vmem>> -> memref<1x128xi32, #tpu.memory_space<vmem>>
      %dma_wait3A_366 = tpu.memref_squeeze %dma_wait3A_365 : memref<1x128xi32, #tpu.memory_space<vmem>> -> memref<128xi32, #tpu.memory_space<vmem>>
      %dma_wait3A_367 = arith.constant 0 : i32
      %dma_wait3A_368 = arith.constant 0 : i32
      %dma_wait3A_369 = tpu.memref_slice %arg3[%dma_wait3A_367, %dma_wait3A_368] : memref<1001472x64xf32, #tpu.memory_space<hbm>> -> memref<1001472x64xf32, #tpu.memory_space<hbm>>
      %dma_wait3A_370 = tpu.memref_slice %arg7[%dma_wait3A_359] : memref<5x!tpu.dma_semaphore, #tpu.memory_space<semaphore_mem>> -> memref<1x!tpu.dma_semaphore, #tpu.memory_space<semaphore_mem>>
      %dma_wait3A_371 = tpu.memref_squeeze %dma_wait3A_370 : memref<1x!tpu.dma_semaphore, #tpu.memory_space<semaphore_mem>> -> memref<!tpu.dma_semaphore, #tpu.memory_space<semaphore_mem>>
      tpu.wait_indirect_dma semaphore(%dma_wait3A_371 : memref<!tpu.dma_semaphore, #tpu.memory_space<semaphore_mem>>) src(%dma_wait3A_369 : memref<1001472x64xf32, #tpu.memory_space<hbm>>) dst(%dma_wait3A_363 : memref<128x64xf32, #tpu.memory_space<vmem>>)
      %add3A_372 = arith.constant 128 : i32
      %add3A_373 = arith.addi %add3A_357, %add3A_372 : i32
      %le3A_374 = arith.constant 200000 : i32
      %le3A_375 = arith.cmpi sle, %add3A_373, %le3A_374 : i32
      %convert_element_type3A_376 = arith.extui %le3A_375 : i1 to i32
      %cond3A_377 = arith.constant 0 : i32
      %cond3A_378 = arith.cmpi ne, %convert_element_type3A_376, %cond3A_377 : i32
      scf.if %cond3A_378 {
        %mul3A_497 = arith.constant 128 : i32
        %mul3A_498 = arith.muli %add3A_354, %mul3A_497 : i32
        %add3A_499 = arith.addi %mul3A_2, %mul3A_498 : i32
        %dma_start3A_500 = arith.constant 1 : i32
        %dma_start3A_501 = arith.constant 1 : i32
        %dma_start3A_502 = arith.constant 0 : i32
        %dma_start3A_503 = arith.constant 0 : i32
        %dma_start3A_504 = tpu.memref_slice %arg6[%dma_start3A_500, %dma_start3A_502, %dma_start3A_503] : memref<5x128x64xf32, #tpu.memory_space<vmem>> -> memref<1x128x64xf32, #tpu.memory_space<vmem>>
        %dma_start3A_505 = tpu.memref_squeeze %dma_start3A_504 : memref<1x128x64xf32, #tpu.memory_space<vmem>> -> memref<128x64xf32, #tpu.memory_space<vmem>>
        %dma_start3A_506 = arith.constant 0 : i32
        %dma_start3A_507 = tpu.memref_slice %arg4[%add3A_499, %dma_start3A_506] : memref<200000x64xf32, #tpu.memory_space<hbm>> -> memref<128x64xf32, #tpu.memory_space<hbm>>
        %dma_start3A_508 = tpu.memref_slice %arg8[%dma_start3A_501] : memref<5x!tpu.dma_semaphore, #tpu.memory_space<semaphore_mem>> -> memref<1x!tpu.dma_semaphore, #tpu.memory_space<semaphore_mem>>
        %dma_start3A_509 = tpu.memref_squeeze %dma_start3A_508 : memref<1x!tpu.dma_semaphore, #tpu.memory_space<semaphore_mem>> -> memref<!tpu.dma_semaphore, #tpu.memory_space<semaphore_mem>>
        %dma_start3A_510 = arith.constant 0 : i32
        %dma_start3A_511 = tpu.memref_slice %arg4[%add3A_499, %dma_start3A_510] : memref<200000x64xf32, #tpu.memory_space<hbm>> -> memref<128x64xf32, #tpu.memory_space<hbm>>
        %dma_start3A_512 = arith.constant 0 : i32
        %dma_start3A_513 = arith.constant 0 : i32
        %dma_start3A_514 = tpu.memref_slice %arg6[%dma_start3A_500, %dma_start3A_512, %dma_start3A_513] : memref<5x128x64xf32, #tpu.memory_space<vmem>> -> memref<1x128x64xf32, #tpu.memory_space<vmem>>
        %dma_start3A_515 = tpu.memref_squeeze %dma_start3A_514 : memref<1x128x64xf32, #tpu.memory_space<vmem>> -> memref<128x64xf32, #tpu.memory_space<vmem>>
        tpu.enqueue_dma source(%dma_start3A_515 : memref<128x64xf32, #tpu.memory_space<vmem>>) target(%dma_start3A_511 : memref<128x64xf32, #tpu.memory_space<hbm>>) target_semaphore(%dma_start3A_509 : memref<!tpu.dma_semaphore, #tpu.memory_space<semaphore_mem>>)
      } else {
      }
      %lt3A_379 = arith.constant 200000 : i32
      %lt3A_380 = arith.cmpi slt, %add3A_357, %lt3A_379 : i32
      %add3A_381 = arith.constant 128 : i32
      %add3A_382 = arith.addi %add3A_357, %add3A_381 : i32
      %gt3A_383 = arith.constant 200000 : i32
      %gt3A_384 = arith.cmpi sgt, %add3A_382, %gt3A_383 : i32
      %and3A_385 = arith.andi %lt3A_380, %gt3A_384 : i1
      %convert_element_type3A_386 = arith.extui %and3A_385 : i1 to i32
      %cond3A_387 = arith.constant 0 : i32
      %cond3A_388 = arith.cmpi ne, %convert_element_type3A_386, %cond3A_387 : i32
      scf.if %cond3A_388 {
        %mul3A_497 = arith.constant 128 : i32
        %mul3A_498 = arith.muli %add3A_354, %mul3A_497 : i32
        %add3A_499 = arith.addi %mul3A_2, %mul3A_498 : i32
        %dma_start3A_500 = arith.constant 1 : i32
        %dma_start3A_501 = arith.constant 1 : i32
        %dma_start3A_502 = arith.constant 0 : i32
        %dma_start3A_503 = arith.constant 0 : i32
        %dma_start3A_504 = tpu.memref_slice %arg6[%dma_start3A_500, %dma_start3A_502, %dma_start3A_503] : memref<5x128x64xf32, #tpu.memory_space<vmem>> -> memref<1x64x64xf32, #tpu.memory_space<vmem>>
        %dma_start3A_505 = tpu.memref_squeeze %dma_start3A_504 : memref<1x64x64xf32, #tpu.memory_space<vmem>> -> memref<64x64xf32, #tpu.memory_space<vmem>>
        %dma_start3A_506 = arith.constant 0 : i32
        %dma_start3A_507 = tpu.memref_slice %arg4[%add3A_499, %dma_start3A_506] : memref<200000x64xf32, #tpu.memory_space<hbm>> -> memref<64x64xf32, #tpu.memory_space<hbm>>
        %dma_start3A_508 = tpu.memref_slice %arg8[%dma_start3A_501] : memref<5x!tpu.dma_semaphore, #tpu.memory_space<semaphore_mem>> -> memref<1x!tpu.dma_semaphore, #tpu.memory_space<semaphore_mem>>
        %dma_start3A_509 = tpu.memref_squeeze %dma_start3A_508 : memref<1x!tpu.dma_semaphore, #tpu.memory_space<semaphore_mem>> -> memref<!tpu.dma_semaphore, #tpu.memory_space<semaphore_mem>>
        %dma_start3A_510 = arith.constant 0 : i32
        %dma_start3A_511 = tpu.memref_slice %arg4[%add3A_499, %dma_start3A_510] : memref<200000x64xf32, #tpu.memory_space<hbm>> -> memref<64x64xf32, #tpu.memory_space<hbm>>
        %dma_start3A_512 = arith.constant 0 : i32
        %dma_start3A_513 = arith.constant 0 : i32
        %dma_start3A_514 = tpu.memref_slice %arg6[%dma_start3A_500, %dma_start3A_512, %dma_start3A_513] : memref<5x128x64xf32, #tpu.memory_space<vmem>> -> memref<1x64x64xf32, #tpu.memory_space<vmem>>
        %dma_start3A_515 = tpu.memref_squeeze %dma_start3A_514 : memref<1x64x64xf32, #tpu.memory_space<vmem>> -> memref<64x64xf32, #tpu.memory_space<vmem>>
        tpu.enqueue_dma source(%dma_start3A_515 : memref<64x64xf32, #tpu.memory_space<vmem>>) target(%dma_start3A_511 : memref<64x64xf32, #tpu.memory_space<hbm>>) target_semaphore(%dma_start3A_509 : memref<!tpu.dma_semaphore, #tpu.memory_space<semaphore_mem>>)
      } else {
      }
      %add3A_389 = arith.constant 2 : i32
      %add3A_390 = arith.addi %mul3A_99, %add3A_389 : i32
      %mul3A_391 = arith.constant 128 : i32
      %mul3A_392 = arith.muli %add3A_390, %mul3A_391 : i32
      %add3A_393 = arith.addi %mul3A_2, %mul3A_392 : i32
      %dma_wait3A_394 = arith.constant 2 : i32
      %dma_wait3A_395 = arith.constant 2 : i32
      %dma_wait3A_396 = arith.constant 0 : i32
      %dma_wait3A_397 = arith.constant 0 : i32
      %dma_wait3A_398 = tpu.memref_slice %arg6[%dma_wait3A_394, %dma_wait3A_396, %dma_wait3A_397] : memref<5x128x64xf32, #tpu.memory_space<vmem>> -> memref<1x128x64xf32, #tpu.memory_space<vmem>>
      %dma_wait3A_399 = tpu.memref_squeeze %dma_wait3A_398 : memref<1x128x64xf32, #tpu.memory_space<vmem>> -> memref<128x64xf32, #tpu.memory_space<vmem>>
      %dma_wait3A_400 = arith.constant 0 : i32
      %dma_wait3A_401 = tpu.memref_slice %arg5[%add3A_390, %dma_wait3A_400] : memref<50x128xi32, #tpu.memory_space<vmem>> -> memref<1x128xi32, #tpu.memory_space<vmem>>
      %dma_wait3A_402 = tpu.memref_squeeze %dma_wait3A_401 : memref<1x128xi32, #tpu.memory_space<vmem>> -> memref<128xi32, #tpu.memory_space<vmem>>
      %dma_wait3A_403 = arith.constant 0 : i32
      %dma_wait3A_404 = arith.constant 0 : i32
      %dma_wait3A_405 = tpu.memref_slice %arg3[%dma_wait3A_403, %dma_wait3A_404] : memref<1001472x64xf32, #tpu.memory_space<hbm>> -> memref<1001472x64xf32, #tpu.memory_space<hbm>>
      %dma_wait3A_406 = tpu.memref_slice %arg7[%dma_wait3A_395] : memref<5x!tpu.dma_semaphore, #tpu.memory_space<semaphore_mem>> -> memref<1x!tpu.dma_semaphore, #tpu.memory_space<semaphore_mem>>
      %dma_wait3A_407 = tpu.memref_squeeze %dma_wait3A_406 : memref<1x!tpu.dma_semaphore, #tpu.memory_space<semaphore_mem>> -> memref<!tpu.dma_semaphore, #tpu.memory_space<semaphore_mem>>
      tpu.wait_indirect_dma semaphore(%dma_wait3A_407 : memref<!tpu.dma_semaphore, #tpu.memory_space<semaphore_mem>>) src(%dma_wait3A_405 : memref<1001472x64xf32, #tpu.memory_space<hbm>>) dst(%dma_wait3A_399 : memref<128x64xf32, #tpu.memory_space<vmem>>)
      %add3A_408 = arith.constant 128 : i32
      %add3A_409 = arith.addi %add3A_393, %add3A_408 : i32
      %le3A_410 = arith.constant 200000 : i32
      %le3A_411 = arith.cmpi sle, %add3A_409, %le3A_410 : i32
      %convert_element_type3A_412 = arith.extui %le3A_411 : i1 to i32
      %cond3A_413 = arith.constant 0 : i32
      %cond3A_414 = arith.cmpi ne, %convert_element_type3A_412, %cond3A_413 : i32
      scf.if %cond3A_414 {
        %mul3A_497 = arith.constant 128 : i32
        %mul3A_498 = arith.muli %add3A_390, %mul3A_497 : i32
        %add3A_499 = arith.addi %mul3A_2, %mul3A_498 : i32
        %dma_start3A_500 = arith.constant 2 : i32
        %dma_start3A_501 = arith.constant 2 : i32
        %dma_start3A_502 = arith.constant 0 : i32
        %dma_start3A_503 = arith.constant 0 : i32
        %dma_start3A_504 = tpu.memref_slice %arg6[%dma_start3A_500, %dma_start3A_502, %dma_start3A_503] : memref<5x128x64xf32, #tpu.memory_space<vmem>> -> memref<1x128x64xf32, #tpu.memory_space<vmem>>
        %dma_start3A_505 = tpu.memref_squeeze %dma_start3A_504 : memref<1x128x64xf32, #tpu.memory_space<vmem>> -> memref<128x64xf32, #tpu.memory_space<vmem>>
        %dma_start3A_506 = arith.constant 0 : i32
        %dma_start3A_507 = tpu.memref_slice %arg4[%add3A_499, %dma_start3A_506] : memref<200000x64xf32, #tpu.memory_space<hbm>> -> memref<128x64xf32, #tpu.memory_space<hbm>>
        %dma_start3A_508 = tpu.memref_slice %arg8[%dma_start3A_501] : memref<5x!tpu.dma_semaphore, #tpu.memory_space<semaphore_mem>> -> memref<1x!tpu.dma_semaphore, #tpu.memory_space<semaphore_mem>>
        %dma_start3A_509 = tpu.memref_squeeze %dma_start3A_508 : memref<1x!tpu.dma_semaphore, #tpu.memory_space<semaphore_mem>> -> memref<!tpu.dma_semaphore, #tpu.memory_space<semaphore_mem>>
        %dma_start3A_510 = arith.constant 0 : i32
        %dma_start3A_511 = tpu.memref_slice %arg4[%add3A_499, %dma_start3A_510] : memref<200000x64xf32, #tpu.memory_space<hbm>> -> memref<128x64xf32, #tpu.memory_space<hbm>>
        %dma_start3A_512 = arith.constant 0 : i32
        %dma_start3A_513 = arith.constant 0 : i32
        %dma_start3A_514 = tpu.memref_slice %arg6[%dma_start3A_500, %dma_start3A_512, %dma_start3A_513] : memref<5x128x64xf32, #tpu.memory_space<vmem>> -> memref<1x128x64xf32, #tpu.memory_space<vmem>>
        %dma_start3A_515 = tpu.memref_squeeze %dma_start3A_514 : memref<1x128x64xf32, #tpu.memory_space<vmem>> -> memref<128x64xf32, #tpu.memory_space<vmem>>
        tpu.enqueue_dma source(%dma_start3A_515 : memref<128x64xf32, #tpu.memory_space<vmem>>) target(%dma_start3A_511 : memref<128x64xf32, #tpu.memory_space<hbm>>) target_semaphore(%dma_start3A_509 : memref<!tpu.dma_semaphore, #tpu.memory_space<semaphore_mem>>)
      } else {
      }
      %lt3A_415 = arith.constant 200000 : i32
      %lt3A_416 = arith.cmpi slt, %add3A_393, %lt3A_415 : i32
      %add3A_417 = arith.constant 128 : i32
      %add3A_418 = arith.addi %add3A_393, %add3A_417 : i32
      %gt3A_419 = arith.constant 200000 : i32
      %gt3A_420 = arith.cmpi sgt, %add3A_418, %gt3A_419 : i32
      %and3A_421 = arith.andi %lt3A_416, %gt3A_420 : i1
      %convert_element_type3A_422 = arith.extui %and3A_421 : i1 to i32
      %cond3A_423 = arith.constant 0 : i32
      %cond3A_424 = arith.cmpi ne, %convert_element_type3A_422, %cond3A_423 : i32
      scf.if %cond3A_424 {
        %mul3A_497 = arith.constant 128 : i32
        %mul3A_498 = arith.muli %add3A_390, %mul3A_497 : i32
        %add3A_499 = arith.addi %mul3A_2, %mul3A_498 : i32
        %dma_start3A_500 = arith.constant 2 : i32
        %dma_start3A_501 = arith.constant 2 : i32
        %dma_start3A_502 = arith.constant 0 : i32
        %dma_start3A_503 = arith.constant 0 : i32
        %dma_start3A_504 = tpu.memref_slice %arg6[%dma_start3A_500, %dma_start3A_502, %dma_start3A_503] : memref<5x128x64xf32, #tpu.memory_space<vmem>> -> memref<1x64x64xf32, #tpu.memory_space<vmem>>
        %dma_start3A_505 = tpu.memref_squeeze %dma_start3A_504 : memref<1x64x64xf32, #tpu.memory_space<vmem>> -> memref<64x64xf32, #tpu.memory_space<vmem>>
        %dma_start3A_506 = arith.constant 0 : i32
        %dma_start3A_507 = tpu.memref_slice %arg4[%add3A_499, %dma_start3A_506] : memref<200000x64xf32, #tpu.memory_space<hbm>> -> memref<64x64xf32, #tpu.memory_space<hbm>>
        %dma_start3A_508 = tpu.memref_slice %arg8[%dma_start3A_501] : memref<5x!tpu.dma_semaphore, #tpu.memory_space<semaphore_mem>> -> memref<1x!tpu.dma_semaphore, #tpu.memory_space<semaphore_mem>>
        %dma_start3A_509 = tpu.memref_squeeze %dma_start3A_508 : memref<1x!tpu.dma_semaphore, #tpu.memory_space<semaphore_mem>> -> memref<!tpu.dma_semaphore, #tpu.memory_space<semaphore_mem>>
        %dma_start3A_510 = arith.constant 0 : i32
        %dma_start3A_511 = tpu.memref_slice %arg4[%add3A_499, %dma_start3A_510] : memref<200000x64xf32, #tpu.memory_space<hbm>> -> memref<64x64xf32, #tpu.memory_space<hbm>>
        %dma_start3A_512 = arith.constant 0 : i32
        %dma_start3A_513 = arith.constant 0 : i32
        %dma_start3A_514 = tpu.memref_slice %arg6[%dma_start3A_500, %dma_start3A_512, %dma_start3A_513] : memref<5x128x64xf32, #tpu.memory_space<vmem>> -> memref<1x64x64xf32, #tpu.memory_space<vmem>>
        %dma_start3A_515 = tpu.memref_squeeze %dma_start3A_514 : memref<1x64x64xf32, #tpu.memory_space<vmem>> -> memref<64x64xf32, #tpu.memory_space<vmem>>
        tpu.enqueue_dma source(%dma_start3A_515 : memref<64x64xf32, #tpu.memory_space<vmem>>) target(%dma_start3A_511 : memref<64x64xf32, #tpu.memory_space<hbm>>) target_semaphore(%dma_start3A_509 : memref<!tpu.dma_semaphore, #tpu.memory_space<semaphore_mem>>)
      } else {
      }
      %add3A_425 = arith.constant 3 : i32
      %add3A_426 = arith.addi %mul3A_99, %add3A_425 : i32
      %mul3A_427 = arith.constant 128 : i32
      %mul3A_428 = arith.muli %add3A_426, %mul3A_427 : i32
      %add3A_429 = arith.addi %mul3A_2, %mul3A_428 : i32
      %dma_wait3A_430 = arith.constant 3 : i32
      %dma_wait3A_431 = arith.constant 3 : i32
      %dma_wait3A_432 = arith.constant 0 : i32
      %dma_wait3A_433 = arith.constant 0 : i32
      %dma_wait3A_434 = tpu.memref_slice %arg6[%dma_wait3A_430, %dma_wait3A_432, %dma_wait3A_433] : memref<5x128x64xf32, #tpu.memory_space<vmem>> -> memref<1x128x64xf32, #tpu.memory_space<vmem>>
      %dma_wait3A_435 = tpu.memref_squeeze %dma_wait3A_434 : memref<1x128x64xf32, #tpu.memory_space<vmem>> -> memref<128x64xf32, #tpu.memory_space<vmem>>
      %dma_wait3A_436 = arith.constant 0 : i32
      %dma_wait3A_437 = tpu.memref_slice %arg5[%add3A_426, %dma_wait3A_436] : memref<50x128xi32, #tpu.memory_space<vmem>> -> memref<1x128xi32, #tpu.memory_space<vmem>>
      %dma_wait3A_438 = tpu.memref_squeeze %dma_wait3A_437 : memref<1x128xi32, #tpu.memory_space<vmem>> -> memref<128xi32, #tpu.memory_space<vmem>>
      %dma_wait3A_439 = arith.constant 0 : i32
      %dma_wait3A_440 = arith.constant 0 : i32
      %dma_wait3A_441 = tpu.memref_slice %arg3[%dma_wait3A_439, %dma_wait3A_440] : memref<1001472x64xf32, #tpu.memory_space<hbm>> -> memref<1001472x64xf32, #tpu.memory_space<hbm>>
      %dma_wait3A_442 = tpu.memref_slice %arg7[%dma_wait3A_431] : memref<5x!tpu.dma_semaphore, #tpu.memory_space<semaphore_mem>> -> memref<1x!tpu.dma_semaphore, #tpu.memory_space<semaphore_mem>>
      %dma_wait3A_443 = tpu.memref_squeeze %dma_wait3A_442 : memref<1x!tpu.dma_semaphore, #tpu.memory_space<semaphore_mem>> -> memref<!tpu.dma_semaphore, #tpu.memory_space<semaphore_mem>>
      tpu.wait_indirect_dma semaphore(%dma_wait3A_443 : memref<!tpu.dma_semaphore, #tpu.memory_space<semaphore_mem>>) src(%dma_wait3A_441 : memref<1001472x64xf32, #tpu.memory_space<hbm>>) dst(%dma_wait3A_435 : memref<128x64xf32, #tpu.memory_space<vmem>>)
      %add3A_444 = arith.constant 128 : i32
      %add3A_445 = arith.addi %add3A_429, %add3A_444 : i32
      %le3A_446 = arith.constant 200000 : i32
      %le3A_447 = arith.cmpi sle, %add3A_445, %le3A_446 : i32
      %convert_element_type3A_448 = arith.extui %le3A_447 : i1 to i32
      %cond3A_449 = arith.constant 0 : i32
      %cond3A_450 = arith.cmpi ne, %convert_element_type3A_448, %cond3A_449 : i32
      scf.if %cond3A_450 {
        %mul3A_497 = arith.constant 128 : i32
        %mul3A_498 = arith.muli %add3A_426, %mul3A_497 : i32
        %add3A_499 = arith.addi %mul3A_2, %mul3A_498 : i32
        %dma_start3A_500 = arith.constant 3 : i32
        %dma_start3A_501 = arith.constant 3 : i32
        %dma_start3A_502 = arith.constant 0 : i32
        %dma_start3A_503 = arith.constant 0 : i32
        %dma_start3A_504 = tpu.memref_slice %arg6[%dma_start3A_500, %dma_start3A_502, %dma_start3A_503] : memref<5x128x64xf32, #tpu.memory_space<vmem>> -> memref<1x128x64xf32, #tpu.memory_space<vmem>>
        %dma_start3A_505 = tpu.memref_squeeze %dma_start3A_504 : memref<1x128x64xf32, #tpu.memory_space<vmem>> -> memref<128x64xf32, #tpu.memory_space<vmem>>
        %dma_start3A_506 = arith.constant 0 : i32
        %dma_start3A_507 = tpu.memref_slice %arg4[%add3A_499, %dma_start3A_506] : memref<200000x64xf32, #tpu.memory_space<hbm>> -> memref<128x64xf32, #tpu.memory_space<hbm>>
        %dma_start3A_508 = tpu.memref_slice %arg8[%dma_start3A_501] : memref<5x!tpu.dma_semaphore, #tpu.memory_space<semaphore_mem>> -> memref<1x!tpu.dma_semaphore, #tpu.memory_space<semaphore_mem>>
        %dma_start3A_509 = tpu.memref_squeeze %dma_start3A_508 : memref<1x!tpu.dma_semaphore, #tpu.memory_space<semaphore_mem>> -> memref<!tpu.dma_semaphore, #tpu.memory_space<semaphore_mem>>
        %dma_start3A_510 = arith.constant 0 : i32
        %dma_start3A_511 = tpu.memref_slice %arg4[%add3A_499, %dma_start3A_510] : memref<200000x64xf32, #tpu.memory_space<hbm>> -> memref<128x64xf32, #tpu.memory_space<hbm>>
        %dma_start3A_512 = arith.constant 0 : i32
        %dma_start3A_513 = arith.constant 0 : i32
        %dma_start3A_514 = tpu.memref_slice %arg6[%dma_start3A_500, %dma_start3A_512, %dma_start3A_513] : memref<5x128x64xf32, #tpu.memory_space<vmem>> -> memref<1x128x64xf32, #tpu.memory_space<vmem>>
        %dma_start3A_515 = tpu.memref_squeeze %dma_start3A_514 : memref<1x128x64xf32, #tpu.memory_space<vmem>> -> memref<128x64xf32, #tpu.memory_space<vmem>>
        tpu.enqueue_dma source(%dma_start3A_515 : memref<128x64xf32, #tpu.memory_space<vmem>>) target(%dma_start3A_511 : memref<128x64xf32, #tpu.memory_space<hbm>>) target_semaphore(%dma_start3A_509 : memref<!tpu.dma_semaphore, #tpu.memory_space<semaphore_mem>>)
      } else {
      }
      %lt3A_451 = arith.constant 200000 : i32
      %lt3A_452 = arith.cmpi slt, %add3A_429, %lt3A_451 : i32
      %add3A_453 = arith.constant 128 : i32
      %add3A_454 = arith.addi %add3A_429, %add3A_453 : i32
      %gt3A_455 = arith.constant 200000 : i32
      %gt3A_456 = arith.cmpi sgt, %add3A_454, %gt3A_455 : i32
      %and3A_457 = arith.andi %lt3A_452, %gt3A_456 : i1
      %convert_element_type3A_458 = arith.extui %and3A_457 : i1 to i32
      %cond3A_459 = arith.constant 0 : i32
      %cond3A_460 = arith.cmpi ne, %convert_element_type3A_458, %cond3A_459 : i32
      scf.if %cond3A_460 {
        %mul3A_497 = arith.constant 128 : i32
        %mul3A_498 = arith.muli %add3A_426, %mul3A_497 : i32
        %add3A_499 = arith.addi %mul3A_2, %mul3A_498 : i32
        %dma_start3A_500 = arith.constant 3 : i32
        %dma_start3A_501 = arith.constant 3 : i32
        %dma_start3A_502 = arith.constant 0 : i32
        %dma_start3A_503 = arith.constant 0 : i32
        %dma_start3A_504 = tpu.memref_slice %arg6[%dma_start3A_500, %dma_start3A_502, %dma_start3A_503] : memref<5x128x64xf32, #tpu.memory_space<vmem>> -> memref<1x64x64xf32, #tpu.memory_space<vmem>>
        %dma_start3A_505 = tpu.memref_squeeze %dma_start3A_504 : memref<1x64x64xf32, #tpu.memory_space<vmem>> -> memref<64x64xf32, #tpu.memory_space<vmem>>
        %dma_start3A_506 = arith.constant 0 : i32
        %dma_start3A_507 = tpu.memref_slice %arg4[%add3A_499, %dma_start3A_506] : memref<200000x64xf32, #tpu.memory_space<hbm>> -> memref<64x64xf32, #tpu.memory_space<hbm>>
        %dma_start3A_508 = tpu.memref_slice %arg8[%dma_start3A_501] : memref<5x!tpu.dma_semaphore, #tpu.memory_space<semaphore_mem>> -> memref<1x!tpu.dma_semaphore, #tpu.memory_space<semaphore_mem>>
        %dma_start3A_509 = tpu.memref_squeeze %dma_start3A_508 : memref<1x!tpu.dma_semaphore, #tpu.memory_space<semaphore_mem>> -> memref<!tpu.dma_semaphore, #tpu.memory_space<semaphore_mem>>
        %dma_start3A_510 = arith.constant 0 : i32
        %dma_start3A_511 = tpu.memref_slice %arg4[%add3A_499, %dma_start3A_510] : memref<200000x64xf32, #tpu.memory_space<hbm>> -> memref<64x64xf32, #tpu.memory_space<hbm>>
        %dma_start3A_512 = arith.constant 0 : i32
        %dma_start3A_513 = arith.constant 0 : i32
        %dma_start3A_514 = tpu.memref_slice %arg6[%dma_start3A_500, %dma_start3A_512, %dma_start3A_513] : memref<5x128x64xf32, #tpu.memory_space<vmem>> -> memref<1x64x64xf32, #tpu.memory_space<vmem>>
        %dma_start3A_515 = tpu.memref_squeeze %dma_start3A_514 : memref<1x64x64xf32, #tpu.memory_space<vmem>> -> memref<64x64xf32, #tpu.memory_space<vmem>>
        tpu.enqueue_dma source(%dma_start3A_515 : memref<64x64xf32, #tpu.memory_space<vmem>>) target(%dma_start3A_511 : memref<64x64xf32, #tpu.memory_space<hbm>>) target_semaphore(%dma_start3A_509 : memref<!tpu.dma_semaphore, #tpu.memory_space<semaphore_mem>>)
      } else {
      }
      %add3A_461 = arith.constant 4 : i32
      %add3A_462 = arith.addi %mul3A_99, %add3A_461 : i32
      %mul3A_463 = arith.constant 128 : i32
      %mul3A_464 = arith.muli %add3A_462, %mul3A_463 : i32
      %add3A_465 = arith.addi %mul3A_2, %mul3A_464 : i32
      %dma_wait3A_466 = arith.constant 4 : i32
      %dma_wait3A_467 = arith.constant 4 : i32
      %dma_wait3A_468 = arith.constant 0 : i32
      %dma_wait3A_469 = arith.constant 0 : i32
      %dma_wait3A_470 = tpu.memref_slice %arg6[%dma_wait3A_466, %dma_wait3A_468, %dma_wait3A_469] : memref<5x128x64xf32, #tpu.memory_space<vmem>> -> memref<1x128x64xf32, #tpu.memory_space<vmem>>
      %dma_wait3A_471 = tpu.memref_squeeze %dma_wait3A_470 : memref<1x128x64xf32, #tpu.memory_space<vmem>> -> memref<128x64xf32, #tpu.memory_space<vmem>>
      %dma_wait3A_472 = arith.constant 0 : i32
      %dma_wait3A_473 = tpu.memref_slice %arg5[%add3A_462, %dma_wait3A_472] : memref<50x128xi32, #tpu.memory_space<vmem>> -> memref<1x128xi32, #tpu.memory_space<vmem>>
      %dma_wait3A_474 = tpu.memref_squeeze %dma_wait3A_473 : memref<1x128xi32, #tpu.memory_space<vmem>> -> memref<128xi32, #tpu.memory_space<vmem>>
      %dma_wait3A_475 = arith.constant 0 : i32
      %dma_wait3A_476 = arith.constant 0 : i32
      %dma_wait3A_477 = tpu.memref_slice %arg3[%dma_wait3A_475, %dma_wait3A_476] : memref<1001472x64xf32, #tpu.memory_space<hbm>> -> memref<1001472x64xf32, #tpu.memory_space<hbm>>
      %dma_wait3A_478 = tpu.memref_slice %arg7[%dma_wait3A_467] : memref<5x!tpu.dma_semaphore, #tpu.memory_space<semaphore_mem>> -> memref<1x!tpu.dma_semaphore, #tpu.memory_space<semaphore_mem>>
      %dma_wait3A_479 = tpu.memref_squeeze %dma_wait3A_478 : memref<1x!tpu.dma_semaphore, #tpu.memory_space<semaphore_mem>> -> memref<!tpu.dma_semaphore, #tpu.memory_space<semaphore_mem>>
      tpu.wait_indirect_dma semaphore(%dma_wait3A_479 : memref<!tpu.dma_semaphore, #tpu.memory_space<semaphore_mem>>) src(%dma_wait3A_477 : memref<1001472x64xf32, #tpu.memory_space<hbm>>) dst(%dma_wait3A_471 : memref<128x64xf32, #tpu.memory_space<vmem>>)
      %add3A_480 = arith.constant 128 : i32
      %add3A_481 = arith.addi %add3A_465, %add3A_480 : i32
      %le3A_482 = arith.constant 200000 : i32
      %le3A_483 = arith.cmpi sle, %add3A_481, %le3A_482 : i32
      %convert_element_type3A_484 = arith.extui %le3A_483 : i1 to i32
      %cond3A_485 = arith.constant 0 : i32
      %cond3A_486 = arith.cmpi ne, %convert_element_type3A_484, %cond3A_485 : i32
      scf.if %cond3A_486 {
        %mul3A_497 = arith.constant 128 : i32
        %mul3A_498 = arith.muli %add3A_462, %mul3A_497 : i32
        %add3A_499 = arith.addi %mul3A_2, %mul3A_498 : i32
        %dma_start3A_500 = arith.constant 4 : i32
        %dma_start3A_501 = arith.constant 4 : i32
        %dma_start3A_502 = arith.constant 0 : i32
        %dma_start3A_503 = arith.constant 0 : i32
        %dma_start3A_504 = tpu.memref_slice %arg6[%dma_start3A_500, %dma_start3A_502, %dma_start3A_503] : memref<5x128x64xf32, #tpu.memory_space<vmem>> -> memref<1x128x64xf32, #tpu.memory_space<vmem>>
        %dma_start3A_505 = tpu.memref_squeeze %dma_start3A_504 : memref<1x128x64xf32, #tpu.memory_space<vmem>> -> memref<128x64xf32, #tpu.memory_space<vmem>>
        %dma_start3A_506 = arith.constant 0 : i32
        %dma_start3A_507 = tpu.memref_slice %arg4[%add3A_499, %dma_start3A_506] : memref<200000x64xf32, #tpu.memory_space<hbm>> -> memref<128x64xf32, #tpu.memory_space<hbm>>
        %dma_start3A_508 = tpu.memref_slice %arg8[%dma_start3A_501] : memref<5x!tpu.dma_semaphore, #tpu.memory_space<semaphore_mem>> -> memref<1x!tpu.dma_semaphore, #tpu.memory_space<semaphore_mem>>
        %dma_start3A_509 = tpu.memref_squeeze %dma_start3A_508 : memref<1x!tpu.dma_semaphore, #tpu.memory_space<semaphore_mem>> -> memref<!tpu.dma_semaphore, #tpu.memory_space<semaphore_mem>>
        %dma_start3A_510 = arith.constant 0 : i32
        %dma_start3A_511 = tpu.memref_slice %arg4[%add3A_499, %dma_start3A_510] : memref<200000x64xf32, #tpu.memory_space<hbm>> -> memref<128x64xf32, #tpu.memory_space<hbm>>
        %dma_start3A_512 = arith.constant 0 : i32
        %dma_start3A_513 = arith.constant 0 : i32
        %dma_start3A_514 = tpu.memref_slice %arg6[%dma_start3A_500, %dma_start3A_512, %dma_start3A_513] : memref<5x128x64xf32, #tpu.memory_space<vmem>> -> memref<1x128x64xf32, #tpu.memory_space<vmem>>
        %dma_start3A_515 = tpu.memref_squeeze %dma_start3A_514 : memref<1x128x64xf32, #tpu.memory_space<vmem>> -> memref<128x64xf32, #tpu.memory_space<vmem>>
        tpu.enqueue_dma source(%dma_start3A_515 : memref<128x64xf32, #tpu.memory_space<vmem>>) target(%dma_start3A_511 : memref<128x64xf32, #tpu.memory_space<hbm>>) target_semaphore(%dma_start3A_509 : memref<!tpu.dma_semaphore, #tpu.memory_space<semaphore_mem>>)
      } else {
      }
      %lt3A_487 = arith.constant 200000 : i32
      %lt3A_488 = arith.cmpi slt, %add3A_465, %lt3A_487 : i32
      %add3A_489 = arith.constant 128 : i32
      %add3A_490 = arith.addi %add3A_465, %add3A_489 : i32
      %gt3A_491 = arith.constant 200000 : i32
      %gt3A_492 = arith.cmpi sgt, %add3A_490, %gt3A_491 : i32
      %and3A_493 = arith.andi %lt3A_488, %gt3A_492 : i1
      %convert_element_type3A_494 = arith.extui %and3A_493 : i1 to i32
      %cond3A_495 = arith.constant 0 : i32
      %cond3A_496 = arith.cmpi ne, %convert_element_type3A_494, %cond3A_495 : i32
      scf.if %cond3A_496 {
        %mul3A_497 = arith.constant 128 : i32
        %mul3A_498 = arith.muli %add3A_462, %mul3A_497 : i32
        %add3A_499 = arith.addi %mul3A_2, %mul3A_498 : i32
        %dma_start3A_500 = arith.constant 4 : i32
        %dma_start3A_501 = arith.constant 4 : i32
        %dma_start3A_502 = arith.constant 0 : i32
        %dma_start3A_503 = arith.constant 0 : i32
        %dma_start3A_504 = tpu.memref_slice %arg6[%dma_start3A_500, %dma_start3A_502, %dma_start3A_503] : memref<5x128x64xf32, #tpu.memory_space<vmem>> -> memref<1x64x64xf32, #tpu.memory_space<vmem>>
        %dma_start3A_505 = tpu.memref_squeeze %dma_start3A_504 : memref<1x64x64xf32, #tpu.memory_space<vmem>> -> memref<64x64xf32, #tpu.memory_space<vmem>>
        %dma_start3A_506 = arith.constant 0 : i32
        %dma_start3A_507 = tpu.memref_slice %arg4[%add3A_499, %dma_start3A_506] : memref<200000x64xf32, #tpu.memory_space<hbm>> -> memref<64x64xf32, #tpu.memory_space<hbm>>
        %dma_start3A_508 = tpu.memref_slice %arg8[%dma_start3A_501] : memref<5x!tpu.dma_semaphore, #tpu.memory_space<semaphore_mem>> -> memref<1x!tpu.dma_semaphore, #tpu.memory_space<semaphore_mem>>
        %dma_start3A_509 = tpu.memref_squeeze %dma_start3A_508 : memref<1x!tpu.dma_semaphore, #tpu.memory_space<semaphore_mem>> -> memref<!tpu.dma_semaphore, #tpu.memory_space<semaphore_mem>>
        %dma_start3A_510 = arith.constant 0 : i32
        %dma_start3A_511 = tpu.memref_slice %arg4[%add3A_499, %dma_start3A_510] : memref<200000x64xf32, #tpu.memory_space<hbm>> -> memref<64x64xf32, #tpu.memory_space<hbm>>
        %dma_start3A_512 = arith.constant 0 : i32
        %dma_start3A_513 = arith.constant 0 : i32
        %dma_start3A_514 = tpu.memref_slice %arg6[%dma_start3A_500, %dma_start3A_512, %dma_start3A_513] : memref<5x128x64xf32, #tpu.memory_space<vmem>> -> memref<1x64x64xf32, #tpu.memory_space<vmem>>
        %dma_start3A_515 = tpu.memref_squeeze %dma_start3A_514 : memref<1x64x64xf32, #tpu.memory_space<vmem>> -> memref<64x64xf32, #tpu.memory_space<vmem>>
        tpu.enqueue_dma source(%dma_start3A_515 : memref<64x64xf32, #tpu.memory_space<vmem>>) target(%dma_start3A_511 : memref<64x64xf32, #tpu.memory_space<hbm>>) target_semaphore(%dma_start3A_509 : memref<!tpu.dma_semaphore, #tpu.memory_space<semaphore_mem>>)
      } else {
      }
    }
    %scan3A_7 = arith.constant 10 : i32
    %add3A_8 = arith.constant 5760 : i32
    %add3A_9 = arith.addi %mul3A_2, %add3A_8 : i32
    %add3A_10 = arith.constant 128 : i32
    %add3A_11 = arith.addi %add3A_9, %add3A_10 : i32
    %le3A = arith.constant 200000 : i32
    %le3A_12 = arith.cmpi sle, %add3A_11, %le3A : i32
    %convert_element_type3A = arith.extui %le3A_12 : i1 to i32
    %cond3A = arith.constant 0 : i32
    %cond3A_13 = arith.cmpi ne, %convert_element_type3A, %cond3A : i32
    scf.if %cond3A_13 {
      %add3A_97 = arith.constant 5760 : i32
      %add3A_98 = arith.addi %mul3A_2, %add3A_97 : i32
      %dma_wait3A = arith.constant 0 : i32
      %dma_wait3A_99 = arith.constant 0 : i32
      %dma_wait3A_100 = arith.constant 0 : i32
      %dma_wait3A_101 = arith.constant 0 : i32
      %dma_wait3A_102 = tpu.memref_slice %arg6[%dma_wait3A, %dma_wait3A_100, %dma_wait3A_101] : memref<5x128x64xf32, #tpu.memory_space<vmem>> -> memref<1x128x64xf32, #tpu.memory_space<vmem>>
      %dma_wait3A_103 = tpu.memref_squeeze %dma_wait3A_102 : memref<1x128x64xf32, #tpu.memory_space<vmem>> -> memref<128x64xf32, #tpu.memory_space<vmem>>
      %dma_wait3A_104 = arith.constant 0 : i32
      %dma_wait3A_105 = tpu.memref_slice %arg4[%add3A_98, %dma_wait3A_104] : memref<200000x64xf32, #tpu.memory_space<hbm>> -> memref<128x64xf32, #tpu.memory_space<hbm>>
      %dma_wait3A_106 = tpu.memref_slice %arg8[%dma_wait3A_99] : memref<5x!tpu.dma_semaphore, #tpu.memory_space<semaphore_mem>> -> memref<1x!tpu.dma_semaphore, #tpu.memory_space<semaphore_mem>>
      %dma_wait3A_107 = tpu.memref_squeeze %dma_wait3A_106 : memref<1x!tpu.dma_semaphore, #tpu.memory_space<semaphore_mem>> -> memref<!tpu.dma_semaphore, #tpu.memory_space<semaphore_mem>>
      %dma_wait3A_108 = arith.constant 0 : i32
      %dma_wait3A_109 = tpu.memref_slice %arg4[%add3A_98, %dma_wait3A_108] : memref<200000x64xf32, #tpu.memory_space<hbm>> -> memref<128x64xf32, #tpu.memory_space<hbm>>
      %dma_wait3A_110 = arith.constant 0 : i32
      %dma_wait3A_111 = arith.constant 0 : i32
      %dma_wait3A_112 = tpu.memref_slice %arg6[%dma_wait3A, %dma_wait3A_110, %dma_wait3A_111] : memref<5x128x64xf32, #tpu.memory_space<vmem>> -> memref<1x128x64xf32, #tpu.memory_space<vmem>>
      %dma_wait3A_113 = tpu.memref_squeeze %dma_wait3A_112 : memref<1x128x64xf32, #tpu.memory_space<vmem>> -> memref<128x64xf32, #tpu.memory_space<vmem>>
      tpu.wait_dma2 semaphore(%dma_wait3A_107 : memref<!tpu.dma_semaphore, #tpu.memory_space<semaphore_mem>>) src(%dma_wait3A_113 : memref<128x64xf32, #tpu.memory_space<vmem>>) dst(%dma_wait3A_109 : memref<128x64xf32, #tpu.memory_space<hbm>>)
    } else {
    }
    %lt3A = arith.constant 200000 : i32
    %lt3A_14 = arith.cmpi slt, %add3A_9, %lt3A : i32
    %add3A_15 = arith.constant 128 : i32
    %add3A_16 = arith.addi %add3A_9, %add3A_15 : i32
    %gt3A = arith.constant 200000 : i32
    %gt3A_17 = arith.cmpi sgt, %add3A_16, %gt3A : i32
    %and3A = arith.andi %lt3A_14, %gt3A_17 : i1
    %convert_element_type3A_18 = arith.extui %and3A : i1 to i32
    %cond3A_19 = arith.constant 0 : i32
    %cond3A_20 = arith.cmpi ne, %convert_element_type3A_18, %cond3A_19 : i32
    scf.if %cond3A_20 {
      %add3A_97 = arith.constant 5760 : i32
      %add3A_98 = arith.addi %mul3A_2, %add3A_97 : i32
      %dma_wait3A = arith.constant 0 : i32
      %dma_wait3A_99 = arith.constant 0 : i32
      %dma_wait3A_100 = arith.constant 0 : i32
      %dma_wait3A_101 = arith.constant 0 : i32
      %dma_wait3A_102 = tpu.memref_slice %arg6[%dma_wait3A, %dma_wait3A_100, %dma_wait3A_101] : memref<5x128x64xf32, #tpu.memory_space<vmem>> -> memref<1x64x64xf32, #tpu.memory_space<vmem>>
      %dma_wait3A_103 = tpu.memref_squeeze %dma_wait3A_102 : memref<1x64x64xf32, #tpu.memory_space<vmem>> -> memref<64x64xf32, #tpu.memory_space<vmem>>
      %dma_wait3A_104 = arith.constant 0 : i32
      %dma_wait3A_105 = tpu.memref_slice %arg4[%add3A_98, %dma_wait3A_104] : memref<200000x64xf32, #tpu.memory_space<hbm>> -> memref<64x64xf32, #tpu.memory_space<hbm>>
      %dma_wait3A_106 = tpu.memref_slice %arg8[%dma_wait3A_99] : memref<5x!tpu.dma_semaphore, #tpu.memory_space<semaphore_mem>> -> memref<1x!tpu.dma_semaphore, #tpu.memory_space<semaphore_mem>>
      %dma_wait3A_107 = tpu.memref_squeeze %dma_wait3A_106 : memref<1x!tpu.dma_semaphore, #tpu.memory_space<semaphore_mem>> -> memref<!tpu.dma_semaphore, #tpu.memory_space<semaphore_mem>>
      %dma_wait3A_108 = arith.constant 0 : i32
      %dma_wait3A_109 = tpu.memref_slice %arg4[%add3A_98, %dma_wait3A_108] : memref<200000x64xf32, #tpu.memory_space<hbm>> -> memref<64x64xf32, #tpu.memory_space<hbm>>
      %dma_wait3A_110 = arith.constant 0 : i32
      %dma_wait3A_111 = arith.constant 0 : i32
      %dma_wait3A_112 = tpu.memref_slice %arg6[%dma_wait3A, %dma_wait3A_110, %dma_wait3A_111] : memref<5x128x64xf32, #tpu.memory_space<vmem>> -> memref<1x64x64xf32, #tpu.memory_space<vmem>>
      %dma_wait3A_113 = tpu.memref_squeeze %dma_wait3A_112 : memref<1x64x64xf32, #tpu.memory_space<vmem>> -> memref<64x64xf32, #tpu.memory_space<vmem>>
      tpu.wait_dma2 semaphore(%dma_wait3A_107 : memref<!tpu.dma_semaphore, #tpu.memory_space<semaphore_mem>>) src(%dma_wait3A_113 : memref<64x64xf32, #tpu.memory_space<vmem>>) dst(%dma_wait3A_109 : memref<64x64xf32, #tpu.memory_space<hbm>>)
    } else {
    }
    %add3A_21 = arith.constant 5888 : i32
    %add3A_22 = arith.addi %mul3A_2, %add3A_21 : i32
    %add3A_23 = arith.constant 128 : i32
    %add3A_24 = arith.addi %add3A_22, %add3A_23 : i32
    %le3A_25 = arith.constant 200000 : i32
    %le3A_26 = arith.cmpi sle, %add3A_24, %le3A_25 : i32
    %convert_element_type3A_27 = arith.extui %le3A_26 : i1 to i32
    %cond3A_28 = arith.constant 0 : i32
    %cond3A_29 = arith.cmpi ne, %convert_element_type3A_27, %cond3A_28 : i32
    scf.if %cond3A_29 {
      %add3A_97 = arith.constant 5888 : i32
      %add3A_98 = arith.addi %mul3A_2, %add3A_97 : i32
      %dma_wait3A = arith.constant 1 : i32
      %dma_wait3A_99 = arith.constant 1 : i32
      %dma_wait3A_100 = arith.constant 0 : i32
      %dma_wait3A_101 = arith.constant 0 : i32
      %dma_wait3A_102 = tpu.memref_slice %arg6[%dma_wait3A, %dma_wait3A_100, %dma_wait3A_101] : memref<5x128x64xf32, #tpu.memory_space<vmem>> -> memref<1x128x64xf32, #tpu.memory_space<vmem>>
      %dma_wait3A_103 = tpu.memref_squeeze %dma_wait3A_102 : memref<1x128x64xf32, #tpu.memory_space<vmem>> -> memref<128x64xf32, #tpu.memory_space<vmem>>
      %dma_wait3A_104 = arith.constant 0 : i32
      %dma_wait3A_105 = tpu.memref_slice %arg4[%add3A_98, %dma_wait3A_104] : memref<200000x64xf32, #tpu.memory_space<hbm>> -> memref<128x64xf32, #tpu.memory_space<hbm>>
      %dma_wait3A_106 = tpu.memref_slice %arg8[%dma_wait3A_99] : memref<5x!tpu.dma_semaphore, #tpu.memory_space<semaphore_mem>> -> memref<1x!tpu.dma_semaphore, #tpu.memory_space<semaphore_mem>>
      %dma_wait3A_107 = tpu.memref_squeeze %dma_wait3A_106 : memref<1x!tpu.dma_semaphore, #tpu.memory_space<semaphore_mem>> -> memref<!tpu.dma_semaphore, #tpu.memory_space<semaphore_mem>>
      %dma_wait3A_108 = arith.constant 0 : i32
      %dma_wait3A_109 = tpu.memref_slice %arg4[%add3A_98, %dma_wait3A_108] : memref<200000x64xf32, #tpu.memory_space<hbm>> -> memref<128x64xf32, #tpu.memory_space<hbm>>
      %dma_wait3A_110 = arith.constant 0 : i32
      %dma_wait3A_111 = arith.constant 0 : i32
      %dma_wait3A_112 = tpu.memref_slice %arg6[%dma_wait3A, %dma_wait3A_110, %dma_wait3A_111] : memref<5x128x64xf32, #tpu.memory_space<vmem>> -> memref<1x128x64xf32, #tpu.memory_space<vmem>>
      %dma_wait3A_113 = tpu.memref_squeeze %dma_wait3A_112 : memref<1x128x64xf32, #tpu.memory_space<vmem>> -> memref<128x64xf32, #tpu.memory_space<vmem>>
      tpu.wait_dma2 semaphore(%dma_wait3A_107 : memref<!tpu.dma_semaphore, #tpu.memory_space<semaphore_mem>>) src(%dma_wait3A_113 : memref<128x64xf32, #tpu.memory_space<vmem>>) dst(%dma_wait3A_109 : memref<128x64xf32, #tpu.memory_space<hbm>>)
    } else {
    }
    %lt3A_30 = arith.constant 200000 : i32
    %lt3A_31 = arith.cmpi slt, %add3A_22, %lt3A_30 : i32
    %add3A_32 = arith.constant 128 : i32
    %add3A_33 = arith.addi %add3A_22, %add3A_32 : i32
    %gt3A_34 = arith.constant 200000 : i32
    %gt3A_35 = arith.cmpi sgt, %add3A_33, %gt3A_34 : i32
    %and3A_36 = arith.andi %lt3A_31, %gt3A_35 : i1
    %convert_element_type3A_37 = arith.extui %and3A_36 : i1 to i32
    %cond3A_38 = arith.constant 0 : i32
    %cond3A_39 = arith.cmpi ne, %convert_element_type3A_37, %cond3A_38 : i32
    scf.if %cond3A_39 {
      %add3A_97 = arith.constant 5888 : i32
      %add3A_98 = arith.addi %mul3A_2, %add3A_97 : i32
      %dma_wait3A = arith.constant 1 : i32
      %dma_wait3A_99 = arith.constant 1 : i32
      %dma_wait3A_100 = arith.constant 0 : i32
      %dma_wait3A_101 = arith.constant 0 : i32
      %dma_wait3A_102 = tpu.memref_slice %arg6[%dma_wait3A, %dma_wait3A_100, %dma_wait3A_101] : memref<5x128x64xf32, #tpu.memory_space<vmem>> -> memref<1x64x64xf32, #tpu.memory_space<vmem>>
      %dma_wait3A_103 = tpu.memref_squeeze %dma_wait3A_102 : memref<1x64x64xf32, #tpu.memory_space<vmem>> -> memref<64x64xf32, #tpu.memory_space<vmem>>
      %dma_wait3A_104 = arith.constant 0 : i32
      %dma_wait3A_105 = tpu.memref_slice %arg4[%add3A_98, %dma_wait3A_104] : memref<200000x64xf32, #tpu.memory_space<hbm>> -> memref<64x64xf32, #tpu.memory_space<hbm>>
      %dma_wait3A_106 = tpu.memref_slice %arg8[%dma_wait3A_99] : memref<5x!tpu.dma_semaphore, #tpu.memory_space<semaphore_mem>> -> memref<1x!tpu.dma_semaphore, #tpu.memory_space<semaphore_mem>>
      %dma_wait3A_107 = tpu.memref_squeeze %dma_wait3A_106 : memref<1x!tpu.dma_semaphore, #tpu.memory_space<semaphore_mem>> -> memref<!tpu.dma_semaphore, #tpu.memory_space<semaphore_mem>>
      %dma_wait3A_108 = arith.constant 0 : i32
      %dma_wait3A_109 = tpu.memref_slice %arg4[%add3A_98, %dma_wait3A_108] : memref<200000x64xf32, #tpu.memory_space<hbm>> -> memref<64x64xf32, #tpu.memory_space<hbm>>
      %dma_wait3A_110 = arith.constant 0 : i32
      %dma_wait3A_111 = arith.constant 0 : i32
      %dma_wait3A_112 = tpu.memref_slice %arg6[%dma_wait3A, %dma_wait3A_110, %dma_wait3A_111] : memref<5x128x64xf32, #tpu.memory_space<vmem>> -> memref<1x64x64xf32, #tpu.memory_space<vmem>>
      %dma_wait3A_113 = tpu.memref_squeeze %dma_wait3A_112 : memref<1x64x64xf32, #tpu.memory_space<vmem>> -> memref<64x64xf32, #tpu.memory_space<vmem>>
      tpu.wait_dma2 semaphore(%dma_wait3A_107 : memref<!tpu.dma_semaphore, #tpu.memory_space<semaphore_mem>>) src(%dma_wait3A_113 : memref<64x64xf32, #tpu.memory_space<vmem>>) dst(%dma_wait3A_109 : memref<64x64xf32, #tpu.memory_space<hbm>>)
    } else {
    }
    %add3A_40 = arith.constant 6016 : i32
    %add3A_41 = arith.addi %mul3A_2, %add3A_40 : i32
    %add3A_42 = arith.constant 128 : i32
    %add3A_43 = arith.addi %add3A_41, %add3A_42 : i32
    %le3A_44 = arith.constant 200000 : i32
    %le3A_45 = arith.cmpi sle, %add3A_43, %le3A_44 : i32
    %convert_element_type3A_46 = arith.extui %le3A_45 : i1 to i32
    %cond3A_47 = arith.constant 0 : i32
    %cond3A_48 = arith.cmpi ne, %convert_element_type3A_46, %cond3A_47 : i32
    scf.if %cond3A_48 {
      %add3A_97 = arith.constant 6016 : i32
      %add3A_98 = arith.addi %mul3A_2, %add3A_97 : i32
      %dma_wait3A = arith.constant 2 : i32
      %dma_wait3A_99 = arith.constant 2 : i32
      %dma_wait3A_100 = arith.constant 0 : i32
      %dma_wait3A_101 = arith.constant 0 : i32
      %dma_wait3A_102 = tpu.memref_slice %arg6[%dma_wait3A, %dma_wait3A_100, %dma_wait3A_101] : memref<5x128x64xf32, #tpu.memory_space<vmem>> -> memref<1x128x64xf32, #tpu.memory_space<vmem>>
      %dma_wait3A_103 = tpu.memref_squeeze %dma_wait3A_102 : memref<1x128x64xf32, #tpu.memory_space<vmem>> -> memref<128x64xf32, #tpu.memory_space<vmem>>
      %dma_wait3A_104 = arith.constant 0 : i32
      %dma_wait3A_105 = tpu.memref_slice %arg4[%add3A_98, %dma_wait3A_104] : memref<200000x64xf32, #tpu.memory_space<hbm>> -> memref<128x64xf32, #tpu.memory_space<hbm>>
      %dma_wait3A_106 = tpu.memref_slice %arg8[%dma_wait3A_99] : memref<5x!tpu.dma_semaphore, #tpu.memory_space<semaphore_mem>> -> memref<1x!tpu.dma_semaphore, #tpu.memory_space<semaphore_mem>>
      %dma_wait3A_107 = tpu.memref_squeeze %dma_wait3A_106 : memref<1x!tpu.dma_semaphore, #tpu.memory_space<semaphore_mem>> -> memref<!tpu.dma_semaphore, #tpu.memory_space<semaphore_mem>>
      %dma_wait3A_108 = arith.constant 0 : i32
      %dma_wait3A_109 = tpu.memref_slice %arg4[%add3A_98, %dma_wait3A_108] : memref<200000x64xf32, #tpu.memory_space<hbm>> -> memref<128x64xf32, #tpu.memory_space<hbm>>
      %dma_wait3A_110 = arith.constant 0 : i32
      %dma_wait3A_111 = arith.constant 0 : i32
      %dma_wait3A_112 = tpu.memref_slice %arg6[%dma_wait3A, %dma_wait3A_110, %dma_wait3A_111] : memref<5x128x64xf32, #tpu.memory_space<vmem>> -> memref<1x128x64xf32, #tpu.memory_space<vmem>>
      %dma_wait3A_113 = tpu.memref_squeeze %dma_wait3A_112 : memref<1x128x64xf32, #tpu.memory_space<vmem>> -> memref<128x64xf32, #tpu.memory_space<vmem>>
      tpu.wait_dma2 semaphore(%dma_wait3A_107 : memref<!tpu.dma_semaphore, #tpu.memory_space<semaphore_mem>>) src(%dma_wait3A_113 : memref<128x64xf32, #tpu.memory_space<vmem>>) dst(%dma_wait3A_109 : memref<128x64xf32, #tpu.memory_space<hbm>>)
    } else {
    }
    %lt3A_49 = arith.constant 200000 : i32
    %lt3A_50 = arith.cmpi slt, %add3A_41, %lt3A_49 : i32
    %add3A_51 = arith.constant 128 : i32
    %add3A_52 = arith.addi %add3A_41, %add3A_51 : i32
    %gt3A_53 = arith.constant 200000 : i32
    %gt3A_54 = arith.cmpi sgt, %add3A_52, %gt3A_53 : i32
    %and3A_55 = arith.andi %lt3A_50, %gt3A_54 : i1
    %convert_element_type3A_56 = arith.extui %and3A_55 : i1 to i32
    %cond3A_57 = arith.constant 0 : i32
    %cond3A_58 = arith.cmpi ne, %convert_element_type3A_56, %cond3A_57 : i32
    scf.if %cond3A_58 {
      %add3A_97 = arith.constant 6016 : i32
      %add3A_98 = arith.addi %mul3A_2, %add3A_97 : i32
      %dma_wait3A = arith.constant 2 : i32
      %dma_wait3A_99 = arith.constant 2 : i32
      %dma_wait3A_100 = arith.constant 0 : i32
      %dma_wait3A_101 = arith.constant 0 : i32
      %dma_wait3A_102 = tpu.memref_slice %arg6[%dma_wait3A, %dma_wait3A_100, %dma_wait3A_101] : memref<5x128x64xf32, #tpu.memory_space<vmem>> -> memref<1x64x64xf32, #tpu.memory_space<vmem>>
      %dma_wait3A_103 = tpu.memref_squeeze %dma_wait3A_102 : memref<1x64x64xf32, #tpu.memory_space<vmem>> -> memref<64x64xf32, #tpu.memory_space<vmem>>
      %dma_wait3A_104 = arith.constant 0 : i32
      %dma_wait3A_105 = tpu.memref_slice %arg4[%add3A_98, %dma_wait3A_104] : memref<200000x64xf32, #tpu.memory_space<hbm>> -> memref<64x64xf32, #tpu.memory_space<hbm>>
      %dma_wait3A_106 = tpu.memref_slice %arg8[%dma_wait3A_99] : memref<5x!tpu.dma_semaphore, #tpu.memory_space<semaphore_mem>> -> memref<1x!tpu.dma_semaphore, #tpu.memory_space<semaphore_mem>>
      %dma_wait3A_107 = tpu.memref_squeeze %dma_wait3A_106 : memref<1x!tpu.dma_semaphore, #tpu.memory_space<semaphore_mem>> -> memref<!tpu.dma_semaphore, #tpu.memory_space<semaphore_mem>>
      %dma_wait3A_108 = arith.constant 0 : i32
      %dma_wait3A_109 = tpu.memref_slice %arg4[%add3A_98, %dma_wait3A_108] : memref<200000x64xf32, #tpu.memory_space<hbm>> -> memref<64x64xf32, #tpu.memory_space<hbm>>
      %dma_wait3A_110 = arith.constant 0 : i32
      %dma_wait3A_111 = arith.constant 0 : i32
      %dma_wait3A_112 = tpu.memref_slice %arg6[%dma_wait3A, %dma_wait3A_110, %dma_wait3A_111] : memref<5x128x64xf32, #tpu.memory_space<vmem>> -> memref<1x64x64xf32, #tpu.memory_space<vmem>>
      %dma_wait3A_113 = tpu.memref_squeeze %dma_wait3A_112 : memref<1x64x64xf32, #tpu.memory_space<vmem>> -> memref<64x64xf32, #tpu.memory_space<vmem>>
      tpu.wait_dma2 semaphore(%dma_wait3A_107 : memref<!tpu.dma_semaphore, #tpu.memory_space<semaphore_mem>>) src(%dma_wait3A_113 : memref<64x64xf32, #tpu.memory_space<vmem>>) dst(%dma_wait3A_109 : memref<64x64xf32, #tpu.memory_space<hbm>>)
    } else {
    }
    %add3A_59 = arith.constant 6144 : i32
    %add3A_60 = arith.addi %mul3A_2, %add3A_59 : i32
    %add3A_61 = arith.constant 128 : i32
    %add3A_62 = arith.addi %add3A_60, %add3A_61 : i32
    %le3A_63 = arith.constant 200000 : i32
    %le3A_64 = arith.cmpi sle, %add3A_62, %le3A_63 : i32
    %convert_element_type3A_65 = arith.extui %le3A_64 : i1 to i32
    %cond3A_66 = arith.constant 0 : i32
    %cond3A_67 = arith.cmpi ne, %convert_element_type3A_65, %cond3A_66 : i32
    scf.if %cond3A_67 {
      %add3A_97 = arith.constant 6144 : i32
      %add3A_98 = arith.addi %mul3A_2, %add3A_97 : i32
      %dma_wait3A = arith.constant 3 : i32
      %dma_wait3A_99 = arith.constant 3 : i32
      %dma_wait3A_100 = arith.constant 0 : i32
      %dma_wait3A_101 = arith.constant 0 : i32
      %dma_wait3A_102 = tpu.memref_slice %arg6[%dma_wait3A, %dma_wait3A_100, %dma_wait3A_101] : memref<5x128x64xf32, #tpu.memory_space<vmem>> -> memref<1x128x64xf32, #tpu.memory_space<vmem>>
      %dma_wait3A_103 = tpu.memref_squeeze %dma_wait3A_102 : memref<1x128x64xf32, #tpu.memory_space<vmem>> -> memref<128x64xf32, #tpu.memory_space<vmem>>
      %dma_wait3A_104 = arith.constant 0 : i32
      %dma_wait3A_105 = tpu.memref_slice %arg4[%add3A_98, %dma_wait3A_104] : memref<200000x64xf32, #tpu.memory_space<hbm>> -> memref<128x64xf32, #tpu.memory_space<hbm>>
      %dma_wait3A_106 = tpu.memref_slice %arg8[%dma_wait3A_99] : memref<5x!tpu.dma_semaphore, #tpu.memory_space<semaphore_mem>> -> memref<1x!tpu.dma_semaphore, #tpu.memory_space<semaphore_mem>>
      %dma_wait3A_107 = tpu.memref_squeeze %dma_wait3A_106 : memref<1x!tpu.dma_semaphore, #tpu.memory_space<semaphore_mem>> -> memref<!tpu.dma_semaphore, #tpu.memory_space<semaphore_mem>>
      %dma_wait3A_108 = arith.constant 0 : i32
      %dma_wait3A_109 = tpu.memref_slice %arg4[%add3A_98, %dma_wait3A_108] : memref<200000x64xf32, #tpu.memory_space<hbm>> -> memref<128x64xf32, #tpu.memory_space<hbm>>
      %dma_wait3A_110 = arith.constant 0 : i32
      %dma_wait3A_111 = arith.constant 0 : i32
      %dma_wait3A_112 = tpu.memref_slice %arg6[%dma_wait3A, %dma_wait3A_110, %dma_wait3A_111] : memref<5x128x64xf32, #tpu.memory_space<vmem>> -> memref<1x128x64xf32, #tpu.memory_space<vmem>>
      %dma_wait3A_113 = tpu.memref_squeeze %dma_wait3A_112 : memref<1x128x64xf32, #tpu.memory_space<vmem>> -> memref<128x64xf32, #tpu.memory_space<vmem>>
      tpu.wait_dma2 semaphore(%dma_wait3A_107 : memref<!tpu.dma_semaphore, #tpu.memory_space<semaphore_mem>>) src(%dma_wait3A_113 : memref<128x64xf32, #tpu.memory_space<vmem>>) dst(%dma_wait3A_109 : memref<128x64xf32, #tpu.memory_space<hbm>>)
    } else {
    }
    %lt3A_68 = arith.constant 200000 : i32
    %lt3A_69 = arith.cmpi slt, %add3A_60, %lt3A_68 : i32
    %add3A_70 = arith.constant 128 : i32
    %add3A_71 = arith.addi %add3A_60, %add3A_70 : i32
    %gt3A_72 = arith.constant 200000 : i32
    %gt3A_73 = arith.cmpi sgt, %add3A_71, %gt3A_72 : i32
    %and3A_74 = arith.andi %lt3A_69, %gt3A_73 : i1
    %convert_element_type3A_75 = arith.extui %and3A_74 : i1 to i32
    %cond3A_76 = arith.constant 0 : i32
    %cond3A_77 = arith.cmpi ne, %convert_element_type3A_75, %cond3A_76 : i32
    scf.if %cond3A_77 {
      %add3A_97 = arith.constant 6144 : i32
      %add3A_98 = arith.addi %mul3A_2, %add3A_97 : i32
      %dma_wait3A = arith.constant 3 : i32
      %dma_wait3A_99 = arith.constant 3 : i32
      %dma_wait3A_100 = arith.constant 0 : i32
      %dma_wait3A_101 = arith.constant 0 : i32
      %dma_wait3A_102 = tpu.memref_slice %arg6[%dma_wait3A, %dma_wait3A_100, %dma_wait3A_101] : memref<5x128x64xf32, #tpu.memory_space<vmem>> -> memref<1x64x64xf32, #tpu.memory_space<vmem>>
      %dma_wait3A_103 = tpu.memref_squeeze %dma_wait3A_102 : memref<1x64x64xf32, #tpu.memory_space<vmem>> -> memref<64x64xf32, #tpu.memory_space<vmem>>
      %dma_wait3A_104 = arith.constant 0 : i32
      %dma_wait3A_105 = tpu.memref_slice %arg4[%add3A_98, %dma_wait3A_104] : memref<200000x64xf32, #tpu.memory_space<hbm>> -> memref<64x64xf32, #tpu.memory_space<hbm>>
      %dma_wait3A_106 = tpu.memref_slice %arg8[%dma_wait3A_99] : memref<5x!tpu.dma_semaphore, #tpu.memory_space<semaphore_mem>> -> memref<1x!tpu.dma_semaphore, #tpu.memory_space<semaphore_mem>>
      %dma_wait3A_107 = tpu.memref_squeeze %dma_wait3A_106 : memref<1x!tpu.dma_semaphore, #tpu.memory_space<semaphore_mem>> -> memref<!tpu.dma_semaphore, #tpu.memory_space<semaphore_mem>>
      %dma_wait3A_108 = arith.constant 0 : i32
      %dma_wait3A_109 = tpu.memref_slice %arg4[%add3A_98, %dma_wait3A_108] : memref<200000x64xf32, #tpu.memory_space<hbm>> -> memref<64x64xf32, #tpu.memory_space<hbm>>
      %dma_wait3A_110 = arith.constant 0 : i32
      %dma_wait3A_111 = arith.constant 0 : i32
      %dma_wait3A_112 = tpu.memref_slice %arg6[%dma_wait3A, %dma_wait3A_110, %dma_wait3A_111] : memref<5x128x64xf32, #tpu.memory_space<vmem>> -> memref<1x64x64xf32, #tpu.memory_space<vmem>>
      %dma_wait3A_113 = tpu.memref_squeeze %dma_wait3A_112 : memref<1x64x64xf32, #tpu.memory_space<vmem>> -> memref<64x64xf32, #tpu.memory_space<vmem>>
      tpu.wait_dma2 semaphore(%dma_wait3A_107 : memref<!tpu.dma_semaphore, #tpu.memory_space<semaphore_mem>>) src(%dma_wait3A_113 : memref<64x64xf32, #tpu.memory_space<vmem>>) dst(%dma_wait3A_109 : memref<64x64xf32, #tpu.memory_space<hbm>>)
    } else {
    }
    %add3A_78 = arith.constant 6272 : i32
    %add3A_79 = arith.addi %mul3A_2, %add3A_78 : i32
    %add3A_80 = arith.constant 128 : i32
    %add3A_81 = arith.addi %add3A_79, %add3A_80 : i32
    %le3A_82 = arith.constant 200000 : i32
    %le3A_83 = arith.cmpi sle, %add3A_81, %le3A_82 : i32
    %convert_element_type3A_84 = arith.extui %le3A_83 : i1 to i32
    %cond3A_85 = arith.constant 0 : i32
    %cond3A_86 = arith.cmpi ne, %convert_element_type3A_84, %cond3A_85 : i32
    scf.if %cond3A_86 {
      %add3A_97 = arith.constant 6272 : i32
      %add3A_98 = arith.addi %mul3A_2, %add3A_97 : i32
      %dma_wait3A = arith.constant 4 : i32
      %dma_wait3A_99 = arith.constant 4 : i32
      %dma_wait3A_100 = arith.constant 0 : i32
      %dma_wait3A_101 = arith.constant 0 : i32
      %dma_wait3A_102 = tpu.memref_slice %arg6[%dma_wait3A, %dma_wait3A_100, %dma_wait3A_101] : memref<5x128x64xf32, #tpu.memory_space<vmem>> -> memref<1x128x64xf32, #tpu.memory_space<vmem>>
      %dma_wait3A_103 = tpu.memref_squeeze %dma_wait3A_102 : memref<1x128x64xf32, #tpu.memory_space<vmem>> -> memref<128x64xf32, #tpu.memory_space<vmem>>
      %dma_wait3A_104 = arith.constant 0 : i32
      %dma_wait3A_105 = tpu.memref_slice %arg4[%add3A_98, %dma_wait3A_104] : memref<200000x64xf32, #tpu.memory_space<hbm>> -> memref<128x64xf32, #tpu.memory_space<hbm>>
      %dma_wait3A_106 = tpu.memref_slice %arg8[%dma_wait3A_99] : memref<5x!tpu.dma_semaphore, #tpu.memory_space<semaphore_mem>> -> memref<1x!tpu.dma_semaphore, #tpu.memory_space<semaphore_mem>>
      %dma_wait3A_107 = tpu.memref_squeeze %dma_wait3A_106 : memref<1x!tpu.dma_semaphore, #tpu.memory_space<semaphore_mem>> -> memref<!tpu.dma_semaphore, #tpu.memory_space<semaphore_mem>>
      %dma_wait3A_108 = arith.constant 0 : i32
      %dma_wait3A_109 = tpu.memref_slice %arg4[%add3A_98, %dma_wait3A_108] : memref<200000x64xf32, #tpu.memory_space<hbm>> -> memref<128x64xf32, #tpu.memory_space<hbm>>
      %dma_wait3A_110 = arith.constant 0 : i32
      %dma_wait3A_111 = arith.constant 0 : i32
      %dma_wait3A_112 = tpu.memref_slice %arg6[%dma_wait3A, %dma_wait3A_110, %dma_wait3A_111] : memref<5x128x64xf32, #tpu.memory_space<vmem>> -> memref<1x128x64xf32, #tpu.memory_space<vmem>>
      %dma_wait3A_113 = tpu.memref_squeeze %dma_wait3A_112 : memref<1x128x64xf32, #tpu.memory_space<vmem>> -> memref<128x64xf32, #tpu.memory_space<vmem>>
      tpu.wait_dma2 semaphore(%dma_wait3A_107 : memref<!tpu.dma_semaphore, #tpu.memory_space<semaphore_mem>>) src(%dma_wait3A_113 : memref<128x64xf32, #tpu.memory_space<vmem>>) dst(%dma_wait3A_109 : memref<128x64xf32, #tpu.memory_space<hbm>>)
    } else {
    }
    %lt3A_87 = arith.constant 200000 : i32
    %lt3A_88 = arith.cmpi slt, %add3A_79, %lt3A_87 : i32
    %add3A_89 = arith.constant 128 : i32
    %add3A_90 = arith.addi %add3A_79, %add3A_89 : i32
    %gt3A_91 = arith.constant 200000 : i32
    %gt3A_92 = arith.cmpi sgt, %add3A_90, %gt3A_91 : i32
    %and3A_93 = arith.andi %lt3A_88, %gt3A_92 : i1
    %convert_element_type3A_94 = arith.extui %and3A_93 : i1 to i32
    %cond3A_95 = arith.constant 0 : i32
    %cond3A_96 = arith.cmpi ne, %convert_element_type3A_94, %cond3A_95 : i32
    scf.if %cond3A_96 {
      %add3A_97 = arith.constant 6272 : i32
      %add3A_98 = arith.addi %mul3A_2, %add3A_97 : i32
      %dma_wait3A = arith.constant 4 : i32
      %dma_wait3A_99 = arith.constant 4 : i32
      %dma_wait3A_100 = arith.constant 0 : i32
      %dma_wait3A_101 = arith.constant 0 : i32
      %dma_wait3A_102 = tpu.memref_slice %arg6[%dma_wait3A, %dma_wait3A_100, %dma_wait3A_101] : memref<5x128x64xf32, #tpu.memory_space<vmem>> -> memref<1x64x64xf32, #tpu.memory_space<vmem>>
      %dma_wait3A_103 = tpu.memref_squeeze %dma_wait3A_102 : memref<1x64x64xf32, #tpu.memory_space<vmem>> -> memref<64x64xf32, #tpu.memory_space<vmem>>
      %dma_wait3A_104 = arith.constant 0 : i32
      %dma_wait3A_105 = tpu.memref_slice %arg4[%add3A_98, %dma_wait3A_104] : memref<200000x64xf32, #tpu.memory_space<hbm>> -> memref<64x64xf32, #tpu.memory_space<hbm>>
      %dma_wait3A_106 = tpu.memref_slice %arg8[%dma_wait3A_99] : memref<5x!tpu.dma_semaphore, #tpu.memory_space<semaphore_mem>> -> memref<1x!tpu.dma_semaphore, #tpu.memory_space<semaphore_mem>>
      %dma_wait3A_107 = tpu.memref_squeeze %dma_wait3A_106 : memref<1x!tpu.dma_semaphore, #tpu.memory_space<semaphore_mem>> -> memref<!tpu.dma_semaphore, #tpu.memory_space<semaphore_mem>>
      %dma_wait3A_108 = arith.constant 0 : i32
      %dma_wait3A_109 = tpu.memref_slice %arg4[%add3A_98, %dma_wait3A_108] : memref<200000x64xf32, #tpu.memory_space<hbm>> -> memref<64x64xf32, #tpu.memory_space<hbm>>
      %dma_wait3A_110 = arith.constant 0 : i32
      %dma_wait3A_111 = arith.constant 0 : i32
      %dma_wait3A_112 = tpu.memref_slice %arg6[%dma_wait3A, %dma_wait3A_110, %dma_wait3A_111] : memref<5x128x64xf32, #tpu.memory_space<vmem>> -> memref<1x64x64xf32, #tpu.memory_space<vmem>>
      %dma_wait3A_113 = tpu.memref_squeeze %dma_wait3A_112 : memref<1x64x64xf32, #tpu.memory_space<vmem>> -> memref<64x64xf32, #tpu.memory_space<vmem>>
      tpu.wait_dma2 semaphore(%dma_wait3A_107 : memref<!tpu.dma_semaphore, #tpu.memory_space<semaphore_mem>>) src(%dma_wait3A_113 : memref<64x64xf32, #tpu.memory_space<vmem>>) dst(%dma_wait3A_109 : memref<64x64xf32, #tpu.memory_space<hbm>>)
    } else {
    }
    return
  }
}

module attributes {stable_mosaic.version = 14 : i64} {
  func.func @_tr_body(%arg0: i32, %arg1: memref<64x2048xf32, #tpu.memory_space<vmem>>, %arg2: memref<1024x128xf32, #tpu.memory_space<vmem>>) attributes {dimension_semantics = [#tpu.dimension_semantics<arbitrary>], iteration_bounds = array<i64: 489>, scalar_prefetch = 0 : i64, scratch_operands = 0 : i64, tpu.core_type = #tpu.core_type<tc>, window_params = [{transform_indices = @transform_0, window_bounds = array<i64: 64, 2048>}, {transform_indices = @transform_1, window_bounds = array<i64: 1024, 128>}]} {
    %get3A = arith.constant 0 : index
    %get3A_0 = arith.constant 0 : index
    %get3A_1 = vector.load %arg1[%get3A, %get3A_0] : memref<64x2048xf32, #tpu.memory_space<vmem>>, vector<64x256xf32>
    %transpose3A = tpu.transpose %get3A_1, [1, 0] : vector<64x256xf32> -> vector<256x64xf32>
    %swap3A = arith.constant 0 : index
    %swap3A_2 = arith.constant 0 : index
    %swap3A_3 = vector.load %arg2[%swap3A, %swap3A_2] : memref<1024x128xf32, #tpu.memory_space<vmem>>, vector<256x64xf32>
    tpu.vector_store %arg2[%swap3A, %swap3A_2], %transpose3A {strides = array<i32>} : memref<1024x128xf32, #tpu.memory_space<vmem>>, vector<256x64xf32>,
    %get3A_4 = arith.constant 0 : index
    %get3A_5 = arith.constant 1024 : index
    %get3A_6 = vector.load %arg1[%get3A_4, %get3A_5] : memref<64x2048xf32, #tpu.memory_space<vmem>>, vector<64x256xf32>
    %transpose3A_7 = tpu.transpose %get3A_6, [1, 0] : vector<64x256xf32> -> vector<256x64xf32>
    %swap3A_8 = arith.constant 0 : index
    %swap3A_9 = arith.constant 64 : index
    %swap3A_10 = vector.load %arg2[%swap3A_8, %swap3A_9] : memref<1024x128xf32, #tpu.memory_space<vmem>>, vector<256x64xf32>
    tpu.vector_store %arg2[%swap3A_8, %swap3A_9], %transpose3A_7 {strides = array<i32>} : memref<1024x128xf32, #tpu.memory_space<vmem>>, vector<256x64xf32>,
    %get3A_11 = arith.constant 0 : index
    %get3A_12 = arith.constant 256 : index
    %get3A_13 = vector.load %arg1[%get3A_11, %get3A_12] : memref<64x2048xf32, #tpu.memory_space<vmem>>, vector<64x256xf32>
    %transpose3A_14 = tpu.transpose %get3A_13, [1, 0] : vector<64x256xf32> -> vector<256x64xf32>
    %swap3A_15 = arith.constant 256 : index
    %swap3A_16 = arith.constant 0 : index
    %swap3A_17 = vector.load %arg2[%swap3A_15, %swap3A_16] : memref<1024x128xf32, #tpu.memory_space<vmem>>, vector<256x64xf32>
    tpu.vector_store %arg2[%swap3A_15, %swap3A_16], %transpose3A_14 {strides = array<i32>} : memref<1024x128xf32, #tpu.memory_space<vmem>>, vector<256x64xf32>,
    %get3A_18 = arith.constant 0 : index
    %get3A_19 = arith.constant 1280 : index
    %get3A_20 = vector.load %arg1[%get3A_18, %get3A_19] : memref<64x2048xf32, #tpu.memory_space<vmem>>, vector<64x256xf32>
    %transpose3A_21 = tpu.transpose %get3A_20, [1, 0] : vector<64x256xf32> -> vector<256x64xf32>
    %swap3A_22 = arith.constant 256 : index
    %swap3A_23 = arith.constant 64 : index
    %swap3A_24 = vector.load %arg2[%swap3A_22, %swap3A_23] : memref<1024x128xf32, #tpu.memory_space<vmem>>, vector<256x64xf32>
    tpu.vector_store %arg2[%swap3A_22, %swap3A_23], %transpose3A_21 {strides = array<i32>} : memref<1024x128xf32, #tpu.memory_space<vmem>>, vector<256x64xf32>,
    %get3A_25 = arith.constant 0 : index
    %get3A_26 = arith.constant 512 : index
    %get3A_27 = vector.load %arg1[%get3A_25, %get3A_26] : memref<64x2048xf32, #tpu.memory_space<vmem>>, vector<64x256xf32>
    %transpose3A_28 = tpu.transpose %get3A_27, [1, 0] : vector<64x256xf32> -> vector<256x64xf32>
    %swap3A_29 = arith.constant 512 : index
    %swap3A_30 = arith.constant 0 : index
    %swap3A_31 = vector.load %arg2[%swap3A_29, %swap3A_30] : memref<1024x128xf32, #tpu.memory_space<vmem>>, vector<256x64xf32>
    tpu.vector_store %arg2[%swap3A_29, %swap3A_30], %transpose3A_28 {strides = array<i32>} : memref<1024x128xf32, #tpu.memory_space<vmem>>, vector<256x64xf32>,
    %get3A_32 = arith.constant 0 : index
    %get3A_33 = arith.constant 1536 : index
    %get3A_34 = vector.load %arg1[%get3A_32, %get3A_33] : memref<64x2048xf32, #tpu.memory_space<vmem>>, vector<64x256xf32>
    %transpose3A_35 = tpu.transpose %get3A_34, [1, 0] : vector<64x256xf32> -> vector<256x64xf32>
    %swap3A_36 = arith.constant 512 : index
    %swap3A_37 = arith.constant 64 : index
    %swap3A_38 = vector.load %arg2[%swap3A_36, %swap3A_37] : memref<1024x128xf32, #tpu.memory_space<vmem>>, vector<256x64xf32>
    tpu.vector_store %arg2[%swap3A_36, %swap3A_37], %transpose3A_35 {strides = array<i32>} : memref<1024x128xf32, #tpu.memory_space<vmem>>, vector<256x64xf32>,
    %get3A_39 = arith.constant 0 : index
    %get3A_40 = arith.constant 768 : index
    %get3A_41 = vector.load %arg1[%get3A_39, %get3A_40] : memref<64x2048xf32, #tpu.memory_space<vmem>>, vector<64x256xf32>
    %transpose3A_42 = tpu.transpose %get3A_41, [1, 0] : vector<64x256xf32> -> vector<256x64xf32>
    %swap3A_43 = arith.constant 768 : index
    %swap3A_44 = arith.constant 0 : index
    %swap3A_45 = vector.load %arg2[%swap3A_43, %swap3A_44] : memref<1024x128xf32, #tpu.memory_space<vmem>>, vector<256x64xf32>
    tpu.vector_store %arg2[%swap3A_43, %swap3A_44], %transpose3A_42 {strides = array<i32>} : memref<1024x128xf32, #tpu.memory_space<vmem>>, vector<256x64xf32>,
    %get3A_46 = arith.constant 0 : index
    %get3A_47 = arith.constant 1792 : index
    %get3A_48 = vector.load %arg1[%get3A_46, %get3A_47] : memref<64x2048xf32, #tpu.memory_space<vmem>>, vector<64x256xf32>
    %transpose3A_49 = tpu.transpose %get3A_48, [1, 0] : vector<64x256xf32> -> vector<256x64xf32>
    %swap3A_50 = arith.constant 768 : index
    %swap3A_51 = arith.constant 64 : index
    %swap3A_52 = vector.load %arg2[%swap3A_50, %swap3A_51] : memref<1024x128xf32, #tpu.memory_space<vmem>>, vector<256x64xf32>
    tpu.vector_store %arg2[%swap3A_50, %swap3A_51], %transpose3A_49 {strides = array<i32>} : memref<1024x128xf32, #tpu.memory_space<vmem>>, vector<256x64xf32>,
    return
  }
  func.func @transform_0(%arg0: i32) -> (i32, i32) {
    %c0_i32 = arith.constant 0 : i32
    %c0_i32_0 = arith.constant 0 : i32
    return %c0_i32, %arg0 : i32, i32
  }
  func.func @transform_1(%arg0: i32) -> (i32, i32) {
    %c0_i32 = arith.constant 0 : i32
    %c0_i32_0 = arith.constant 0 : i32
    return %arg0, %c0_i32 : i32, i32
  }
}

module attributes {stable_mosaic.version = 14 : i64} {
  func.func @_mm_body(%arg0: i32, %arg1: memref<64x128xf32, #tpu.memory_space<vmem>>, %arg2: memref<2048x128xf32, #tpu.memory_space<vmem>>, %arg3: memref<64x128xf32, #tpu.memory_space<vmem>>, %arg4: memref<64x2048xf32, #tpu.memory_space<vmem>>) attributes {dimension_semantics = [#tpu.dimension_semantics<arbitrary>], iteration_bounds = array<i64: 49>, scalar_prefetch = 0 : i64, scratch_operands = 0 : i64, tpu.core_type = #tpu.core_type<tc>, window_params = [{pipeline_mode = #tpu.pipeline_mode<synchronous>, transform_indices = @transform_0, window_bounds = array<i64: 64, 128>}, {transform_indices = @transform_1, window_bounds = array<i64: 2048, 128>}, {pipeline_mode = #tpu.pipeline_mode<synchronous>, transform_indices = @transform_2, window_bounds = array<i64: 64, 128>}, {transform_indices = @transform_3, window_bounds = array<i64: 64, 2048>}]} {
    %get3A = arith.constant 0 : index
    %get3A_0 = arith.constant 0 : index
    %get3A_1 = vector.load %arg1[%get3A, %get3A_0] : memref<64x128xf32, #tpu.memory_space<vmem>>, vector<64x128xf32>
    %get3A_2 = arith.constant 0 : index
    %get3A_3 = arith.constant 0 : index
    %get3A_4 = vector.load %arg2[%get3A_2, %get3A_3] : memref<2048x128xf32, #tpu.memory_space<vmem>>, vector<2048x128xf32>
    %dot_general3A = arith.constant dense<0.000000e+00> : vector<64x2048xf32>
    %dot_general3A_5 = tpu.matmul %get3A_1, %get3A_4, %dot_general3A {dimension_numbers = #tpu.dot_dimension_numbers<[1], [1], [0], [0], [0, 0, 1, 0], [], []>, transpose_lhs_hint = false} : vector<64x128xf32>, vector<2048x128xf32>, vector<64x2048xf32> -> vector<64x2048xf32>
    %get3A_6 = arith.constant 0 : index
    %get3A_7 = arith.constant 0 : index
    %get3A_8 = vector.load %arg3[%get3A_6, %get3A_7] : memref<64x128xf32, #tpu.memory_space<vmem>>, vector<64x1xf32>
    %add3A = vector.broadcast %get3A_8 : vector<64x1xf32> to vector<64x2048xf32>
    %add3A_9 = arith.addf %dot_general3A_5, %add3A : vector<64x2048xf32>
    %swap3A = arith.constant 0 : index
    %swap3A_10 = arith.constant 0 : index
    %swap3A_11 = vector.load %arg4[%swap3A, %swap3A_10] : memref<64x2048xf32, #tpu.memory_space<vmem>>, vector<64x2048xf32>
    tpu.vector_store %arg4[%swap3A, %swap3A_10], %add3A_9 {strides = array<i32>} : memref<64x2048xf32, #tpu.memory_space<vmem>>, vector<64x2048xf32>,
    return
  }
  func.func @transform_0(%arg0: i32) -> (i32, i32) {
    %c0_i32 = arith.constant 0 : i32
    %c0_i32_0 = arith.constant 0 : i32
    %c0_i32_1 = arith.constant 0 : i32
    return %c0_i32, %c0_i32_0 : i32, i32
  }
  func.func @transform_1(%arg0: i32) -> (i32, i32) {
    %c0_i32 = arith.constant 0 : i32
    %c0_i32_0 = arith.constant 0 : i32
    return %arg0, %c0_i32 : i32, i32
  }
  func.func @transform_2(%arg0: i32) -> (i32, i32) {
    %c0_i32 = arith.constant 0 : i32
    %c0_i32_0 = arith.constant 0 : i32
    %c0_i32_1 = arith.constant 0 : i32
    return %c0_i32, %c0_i32_0 : i32, i32
  }
  func.func @transform_3(%arg0: i32) -> (i32, i32) {
    %c0_i32 = arith.constant 0 : i32
    %c0_i32_0 = arith.constant 0 : i32
    return %c0_i32, %arg0 : i32, i32
  }
}

</mosaic_0001>

<sc_bundles>
// kernel: kernel.5.cloned.1.call-start
scs
__scs_entry_jumppad:
0x0: {  	(pc) =	sbr.rel $0x88, $3  }
0x1: {  	(tag) =	ssettag $0x0;
	lr =	simm.s32 $0x1  }
0x2: {  	[smem:$0x3F9C] =	sst lr;
	_ =	strace $0xD0000000  }
0x3: {  	_ = 	snop  }
0x4: {  	_ = 	snop  }
0x5: {  	_ = 	snop  }
0x6: {  	_ = 	snop  }
0x7: {  	_ = 	snop  }
__scs_overlays_trampoline_lowered:
0x8: {  	[smem:$0x3FAB] =	sst s0  }
0x9: {  	[smem:$0x3FAC] =	sst s1  }
0xa: {  	[smem:$0x3FAD] =	sst s2  }
0xb: {  	[smem:$0x3FAE] =	sst s3  }
0xc: {  	[smem:$0x3FAF] =	sst s4  }
0xd: {  	[smem:$0x3FB0] =	sst s5  }
0xe: {  	[smem:$0x3FB1] =	sst s6  }
0xf: {  	[smem:$0x3FB2] =	sst s7  }
0x10: {  	[smem:$0x3FB3] =	sst s8  }
0x11: {  	[smem:$0x3FB4] =	sst s9;
	s0 =	simm.s32 @!p0 $0x0  }
0x12: {  	s1 =	sld [smem:$0x3F9A];
	s0 =	simm.s32 @p0 $0x1  }
0x13: {  	[smem:$0x3FB5] =	sst s0;
	s0 =	simm.s32 @!p1 $0x0  }
0x14: {  	s2 =	sld [smem:$0x3F99];
	s0 =	simm.s32 @p1 $0x1  }
0x15: {  	[smem:$0x3FB6] =	sst s0;
	s0 =	simm.s32 @!p2 $0x0  }
0x16: {  	s3 =	sld [smem:$0x3FDB];
	s0 =	simm.s32 @p2 $0x1  }
0x17: {  	s4 =	simm.s32 $0x1BF5;
	[smem:$0x3FB8] =	sst s0  }
0x18: {  	s0 =	sld [smem:$0x3F9B];
	_ =	swait.ge [sflag:s4], $0x0  }
0x19: {  	s7 =	sld [smem:$0x3F9C]  }
0x1a: {  	s8 =	sadd.s32 $0xFFFFE003, lr  }
0x1b: {  	s9 =	sadd.s32 $0xFFFFFEF7, lr;
	s5 =	simm.s32 $0xFFFFFFFF;
	p2 =	slt.u32 s8, $0xFFFFF086  }
0x1c: {  	p1 =	slt.u32 s9, $0xF7A;
	s5 =	simm.s32 @!p2 $0x0  }
0x1d: {  	s5 =	simm.s32 @p1 $0x1;
	p0 =	seq.s32 s7, s2  }
0x1e: {  	s7 =	smul.u32 @!p0 $0xF7A, s2;
	p2 =	seq.s32 @!p0 s5, $0x0  }
0x1f: {  	s9 =	smul.u32 $0xF7A, s1;
	s8 =	simm.s32 @!p0 $0x1BF5;
	p2 =	por !p2, p0  }
0x20: {  	[sflag:s8] =	ssyncset.s32 @!p0 $0xFFFFF086;
	s6 =	sadd.s32 @!p0 s3, s7;
	s7 =	simm.s32 @!p0 $0x108  }
0x21: {  	s3 =	sadd.s32 s3, s9;
	s6 =	sadd.s32 @!p0 $0x88, s6;
	s7 =	simm.s32 @p2 $0x1082  }
0x22: {  	[simem:s7], [sflag:s8] =	dma.local @!p0 [hbm:s6], $0xF7A  }
0x23: {  	s9 =	sor.u32 $0xD0000000, s2;
	s6 =	simm.s32 $0x108;
	_ =	swait.ge @!p0 [sflag:s8], $0x0  }
0x24: {  	s3 =	sadd.s32 $0x88, s3;
	s6 =	simm.s32 @!p1 $0x1082;
	[sflag:s4] =	ssyncset.s32 $0xFFFFF086  }
0x25: {  	[simem:s6], [sflag:s4] =	dma.local [hbm:s3], $0xF7A  }
0x26: {  	[smem:$0x3F9C] =	sst s1;
	(tag) =	ssettag s2;
	_ =	strace s9  }
0x27: {  	s1 =	sld [smem:$0x3FAC]  }
0x28: {  	s2 =	sld [smem:$0x3FAD]  }
0x29: {  	s4 =	sld [smem:$0x3FAF]  }
0x2a: {  	p0 =	seq.s32 s5, $0x0;
	s5 =	sld [smem:$0x3FB0]  }
0x2b: {  	s6 =	sld [smem:$0x3FB1]  }
0x2c: {  	s7 =	sld [smem:$0x3FB2]  }
0x2d: {  	s3 =	simm.s32 $0x108;
	s8 =	sld [smem:$0x3FB3]  }
0x2e: {  	s3 =	simm.s32 @!p0 $0x1082;
	s9 =	sld [smem:$0x3FB4]  }
0x2f: {  	lr =	sadd.s32 s0, s3;
	s0 =	sld [smem:$0x3FAB]  }
0x30: {  	s3 =	sld [smem:$0x3FAE]  }
0x31: {  	[smem:$0x3FB7] =	sst s10  }
0x32: {  	s10 =	sld [smem:$0x3FB5];
	_ =	sdelay $0x3  }
0x33: {  	p0 =	seq.s32 s10, $0x1;
	s10 =	sld [smem:$0x3FB7];
	_ =	sdelay $0x3  }
0x34: {  	[smem:$0x3FB7] =	sst s10  }
0x35: {  	s10 =	sld [smem:$0x3FB6];
	_ =	sdelay $0x3  }
0x36: {  	p1 =	seq.s32 s10, $0x1;
	s10 =	sld [smem:$0x3FB7];
	_ =	sdelay $0x3  }
0x37: {  	[smem:$0x3FB7] =	sst s10  }
0x38: {  	s10 =	sld [smem:$0x3FB8]  }
0x39: {  	_ = 	snop;
	(pc) =	sbr.ind lr, $3  }
0x3a: {  	_ = 	snop  }
0x3b: {  	_ = 	snop  }
0x3c: {  	p2 =	seq.s32 s10, $0x1;
	s10 =	sld [smem:$0x3FB7]  }
0x3d: {  	_ =	shalt  }
0x3e: {  	_ =	shalt  }
0x3f: {  	_ =	shalt  }
0x40: {  	_ =	shalt  }
0x41: {  	_ =	shalt  }
0x42: {  	_ =	shalt  }
0x43: {  	_ =	shalt  }
0x44: {  	_ =	shalt  }
0x45: {  	_ =	shalt  }
0x46: {  	_ =	shalt  }
0x47: {  	_ =	shalt  }
0x48: {  	_ =	shalt  }
0x49: {  	_ =	shalt  }
0x4a: {  	_ =	shalt  }
0x4b: {  	_ =	shalt  }
0x4c: {  	_ =	shalt  }
0x4d: {  	_ =	shalt  }
0x4e: {  	_ =	shalt  }
0x4f: {  	_ =	shalt  }
0x50: {  	_ =	shalt  }
0x51: {  	_ =	shalt  }
0x52: {  	_ =	shalt  }
0x53: {  	_ =	shalt  }
0x54: {  	_ =	shalt  }
0x55: {  	_ =	shalt  }
0x56: {  	_ =	shalt  }
0x57: {  	_ =	shalt  }
0x58: {  	_ =	shalt  }
0x59: {  	_ =	shalt  }
0x5a: {  	_ =	shalt  }
0x5b: {  	_ =	shalt  }
0x5c: {  	_ =	shalt  }
0x5d: {  	_ =	shalt  }
0x5e: {  	_ =	shalt  }
0x5f: {  	_ =	shalt  }
0x60: {  	_ =	shalt  }
0x61: {  	_ =	shalt  }
0x62: {  	_ =	shalt  }
0x63: {  	_ =	shalt  }
0x64: {  	_ =	shalt  }
0x65: {  	_ =	shalt  }
0x66: {  	_ =	shalt  }
0x67: {  	_ =	shalt  }
0x68: {  	_ =	shalt  }
0x69: {  	_ =	shalt  }
0x6a: {  	_ =	shalt  }
0x6b: {  	_ =	shalt  }
0x6c: {  	_ =	shalt  }
0x6d: {  	_ =	shalt  }
0x6e: {  	_ =	shalt  }
0x6f: {  	_ =	shalt  }
0x70: {  	_ =	shalt  }
0x71: {  	_ =	shalt  }
0x72: {  	_ =	shalt  }
0x73: {  	_ =	shalt  }
0x74: {  	_ =	shalt  }
0x75: {  	_ =	shalt  }
0x76: {  	_ =	shalt  }
0x77: {  	_ =	shalt  }
0x78: {  	_ =	shalt  }
0x79: {  	_ =	shalt  }
0x7a: {  	_ =	shalt  }
0x7b: {  	_ =	shalt  }
0x7c: {  	_ =	shalt  }
0x7d: {  	_ =	shalt  }
0x7e: {  	_ =	shalt  }
0x7f: {  	_ =	shalt  }
0x80: {  	_ =	shalt  }
0x81: {  	_ =	shalt  }
0x82: {  	_ =	shalt  }
0x83: {  	_ =	shalt  }
0x84: {  	_ =	shalt  }
0x85: {  	_ =	shalt  }
0x86: {  	_ =	shalt  }
0x87: {  	_ =	shalt  }
.Lfunc_end0:
.L_simem_size_0:
called_computation.1_lowered:
.L_overlay_start_0:
0x88: {  	s2 =	sld [smem:$0x3FD9]  }
0x89: {  	s3 =	sld [smem:$0x3FFE];
	_ =	sdelay $0x1  }
0x8a: {  	s1 =	srdreg.scid  }
0x8b: {  	s0 =	sand.u32 $0x1, s1  }
0x8c: {  	s14 =	sshll.u32 s0, $0xA;
	s2 =	sadd.s32 s3, s2  }
0x8d: {  	s2 =	sadd.s32 s2, s14  }
0x8e: {  	[smem:$0x3FC3] =	sst s2  }
0x8f: {  	_ = 	snop  }
0x90: {  	s2 =	sld [smem:$0x3FD0];
	_ =	sdelay $0x2  }
0x91: {  	s15 =	simm.s32 $0xA;
	s4 =	simm.s32 $0x10  }
0x92: {  	[smem:s4], [sflag:s15] =	dma.local [hbm:s2], $0x1  }
0x93: {  	_ =	swait.eq [sflag:s15], $0x1  }
0x94: {  	[sflag:s15] =	ssyncset.done $0x0  }
0x95: {  	s16 =	sld [smem:$0x10];
	[sflag:s15] =	ssyncadd.s32 $0xFFFFFFFF  }
0x96: {  	s17 =	sld [smem:$0x11];
	(tm) =	ssettm $0x1  }
0x97: {  	s18 =	sld [smem:$0x3FFB];
	_ =	sdelay $0x3  }
0x98: {  	_ =	strace s18  }
0x99: {  	s4 =	sld [smem:$0x3FFC];
	_ =	sdelay $0x3  }
0x9a: {  	_ =	strace s4  }
0x9b: {  	s4 =	sld [smem:$0x3FFD];
	_ =	sdelay $0x3  }
0x9c: {  	_ =	strace s4  }
0x9d: {  	_ =	strace $0x8FFFFFFF  }
0x9e: {  	s19 =	sld [smem:$0x3FDB];
	_ =	sdelay $0x1  }
0x9f: {  	s5 =	simm.s32 $_scs_section_size  }
0xa0: {  	s6 =	simm.s32 $_size__tile_overlayer_lowered;
	s7 =	simm.s32 $_tile_overlayer_lowered  }
0xa1: {  	s22 =	simm.s32 $0x1BFF;
	s21 =	sshll.u32 s7, $0x1;
	s4 =	sadd.s32 s5, s19  }
0xa2: {  	s8 =	simm.s32 $0x0;
	s20 =	sshll.u32 s6, $0x1;
	s6 =	sadd.s32 s21, s4  }
0xa3: {  	[timem:s8], [sflag:s22] =	dma.local [hbm:s6], s20  }
0xa4: {  	_ =	swait.ge [sflag:s22], s20  }
0xa5: {  	s5 =	ssub.s32 $0x0, s20;
	[sflag:s22] =	ssyncset.done $0x0  }
0xa6: {  	[sflag:s22] =	ssyncadd.s32 s5;
	_ =	sdelay $0x1  }
0xa7: {  	s23 =	simm.s32 $0x1B8B  }
0xa8: {  	_ =	swait.ge [sflag:s23], $0x1  }
0xa9: {  	[sflag:s23] =	ssyncset.done $0x0  }
0xaa: {  	s25 =	simm.s32 $0x1B8E;
	s24 =	sld [smem:$0x3FFE];
	[sflag:s23] =	ssyncadd.s32 $0xFFFFFFFF  }
0xab: {  	s26 =	simm.s32 $execute0_lowered;
	[smem:$0x3FD2] =	sst s25  }
0xac: {  	s6 =	sshll.u32 s26, $0x1;
	_ =	strace $0x80000046;
	[dreg:$0x1] =	wrdreg $0xFFFFFFFF  }
0xad: {  	s28 =	simm.s32 $_size_execute0_lowered;
	s4 =	sadd.s32 s4, s6;
	[dreg:$0x0] =	wrdreg $0x0  }
0xae: {  	s6 =	sshll.u32 s28, $0x1;
	[dreg:$0x2] =	wrdreg s4  }
0xaf: {  	[dreg:$0x3] =	wrdreg s6  }
0xb0: {  	[dreg:$0x4] =	wrdreg $0xC0  }
0xb1: {  	_ =	task [dreg:s8], $0x5FFFF  }
0xb2: {  	[dreg:$0x1] =	wrdreg $0xFFFFFFFF  }
0xb3: {  	[dreg:$0x0] =	wrdreg $0x60  }
0xb4: {  	[dreg:$0x2] =	wrdreg s16  }
0xb5: {  	[dreg:$0x3] =	wrdreg s24  }
0xb6: {  	[dreg:$0x4] =	wrdreg s17  }
0xb7: {  	[dreg:$0x5] =	wrdreg $0x9  }
0xb8: {  	_ =	task.clear_ibuf [dreg:s8], $0x6FFFF;
	_ =	strace $0x90000046  }
0xb9: {  	s29 =	simm.s32 $0x9;
	_ =	strace $0x80000048  }
0xba: {  	_ =	swait.ge [sflag:s29], $0x1  }
0xbb: {  	[sflag:s29] =	ssyncadd.s32 $0xFFFFFFFF  }
0xbc: {  	_ =	strace $0x90000048  }
0xbd: {  	_ =	sfence  }
0xbe: {  	s30 =	sld [smem:$0x0];
	_ =	sdelay $0x2  }
0xbf: {  	s31 =	sshll.u32 s1, $0xD;
	s1 =	sshrl.u32 s1, $0x2  }
0xc0: {  	s3 =	sand.u32 $0x4000, s31;
	s1 =	sadd.s32 s1, s30  }
0xc1: {  	s0 =	sor.u32 s3, s0;
	s1 =	sshll.u32 s1, $0x11  }
0xc2: {  	s0 =	sor.u32 s1, s0  }
0xc3: {  	s0 =	sadd.s32 $0x8F2B, s0  }
0xc4: {  	[sflag:s0] =	ssyncadd.remote.s32 $0x1  }
0xc5: {  	_ =	sfence.sel $0xFFFF  }
0xc6: {  	[dreg:$0x0] =	wrdreg $0xFFFFFFFF;
	(pc) =	sbr.abs _section_cstart, $3  }
0xc7: {  	[dreg:$0x1] =	wrdreg $0xFFFFFFFF  }
0xc8: {  	_ =	task.clear_ibuf [dreg:s8], $0x2FFFF;
	_ =	strace $0x9FFFFFFF  }
0xc9: {  	(tm) =	ssettm $0x7FFFFFFF  }
tec
execute0_lowered:
.L_overlay_start_1:
0x0: {  	(tag) =	ssettag $0x1  }
0x1: {  	s4 =	rddreg [dreg:$0x0]  }
0x2: {  	s3 =	rddreg [dreg:$0x1];
	s1 =	srdreg.scid  }
0x3: {  	s0 =	stileid.u32;
	s6 =	rddreg [dreg:$0x2];
	s28 =	simm.s32 $0x0  }
0x4: {  	s13 =	simm.s32 $0x7;
	s14 =	simm.s32 $0x3900;
	s15 =	simm.s32 $0x8  }
0x5: {  	s16 =	simm.s32 $0x5900;
	s17 =	simm.s32 $0x9;
	s18 =	simm.s32 $0x7900  }
0x6: {  	s19 =	simm.s32 $0xA;
	s20 =	simm.s32 $0x9900;
	s21 =	simm.s32 $0x1  }
0x7: {  	s23 =	simm.s32 $0x3;
	s26 =	simm.s32 $0x0;
	s9 =	smul.u32 $0x3200, s0  }
0x8: {  	s5 =	sand.u32 $0x1, s1;
	s7 =	sshll.u32 s0, $0x1;
	s12 =	smul.u32 $0x19000, s0  }
0x9: {  	[smem:$0x7FF] =	sst s28;
	s3 =	sadd.s32 $0xE00, s3;
	s11 =	smul.u32 $0x1900, s5  }
0xa: {  	s22 =	sor.u32 s5, s7;
	s8 =	ssub.s32 $0x2, s5;
	s30 =	smul.u32 $0xC800, s5  }
0xb: {  	_ =	strace $0x80000047;
	s7 =	smul.u32 $0x1900, s22;
	s10 =	sshrl.u32 s8, $0x1  }
0xc: {  	s31 =	sadd.s32 s12, s6;
	s12 =	simm.s32 $0x1900;
	p0 =	seq.s32 s22, $0x1F  }
0xd: {  	s22 =	simm.s32 $0x2;
	s8 =	ssub.s32 s8, s10;
	s10 =	simm.s32 $0x6  }
0xe: {  	s29 =	sshrl.u32 s7, $0x3;
	s24 =	sadd.s32 $0xFFFD0A3F, s7;
	s25 =	sadd.s32 $0xFFFD0B3F, s7  }
.Ltmp0:
0xf: {  	s5 =	smax.u32 s8, $0x1;
	s6 =	ssub.s32 $0x30DC0, s7;
	(pc) =	sbr.rel .LBB2_1-.Ltmp0, $4  }
0x10: {  	s7 =	sadd.s32 s11, s9;
	s8 =	sadd.s32 s30, s31;
	s9 =	simm.s32 $0xB  }
0x11: {  	s11 =	simm.s32 $0x80;
	s4 =	sadd.s32 s4, s29;
	s8 =	sadd.s32 $0x1000, s8  }
0x12: {  	p1 =	sgt.u32 @!p0 s24, $0x7E;
	s24 =	simm.s32 $0x4;
	p2 =	sgt.u32 @!p0 s25, $0x7E  }
0x13: {  	s25 =	simm.s32 $0x5;
	p1 =	por p1, p0;
	p2 =	por p2, p0  }
.LBB2_18:
0x14: {  	s0 =	simm.s32 @!p0 $0x6  }
0x15: {  	_ =	swait.ge @!p0 [sflag:s0], $0x2000  }
0x16: {  	[sflag:s0] =	ssyncset.done @!p0 $0x0  }
0x17: {  	[sflag:s0] =	ssyncadd.s32 @!p0 $0xFFFFE000;
	s0 =	simm.s32 @!p0 $0x7  }
0x18: {  	_ =	swait.ge @!p0 [sflag:s0], $0x2000  }
0x19: {  	[sflag:s0] =	ssyncset.done @!p0 $0x0  }
0x1a: {  	[sflag:s0] =	ssyncadd.s32 @!p0 $0xFFFFE000;
	s0 =	simm.s32 @!p1 $0x7  }
0x1b: {  	_ =	swait.ge @!p1 [sflag:s0], $0x1000  }
0x1c: {  	[sflag:s0] =	ssyncset.done @!p1 $0x0  }
0x1d: {  	[sflag:s0] =	ssyncadd.s32 @!p1 $0xFFFFF000;
	s0 =	simm.s32 @!p0 $0x8  }
0x1e: {  	_ =	swait.ge @!p0 [sflag:s0], $0x2000  }
0x1f: {  	[sflag:s0] =	ssyncset.done @!p0 $0x0  }
0x20: {  	[sflag:s0] =	ssyncadd.s32 @!p0 $0xFFFFE000;
	s0 =	simm.s32 @!p0 $0x9  }
0x21: {  	_ =	swait.ge @!p0 [sflag:s0], $0x2000  }
0x22: {  	[sflag:s0] =	ssyncset.done @!p0 $0x0  }
0x23: {  	s26 =	sadd.s32 $0x1, s26;
	[sflag:s0] =	ssyncadd.s32 @!p0 $0xFFFFE000;
	s0 =	simm.s32 @!p2 $0x9  }
0x24: {  	p3 =	sne.s32 s26, s5;
	_ =	swait.ge @!p2 [sflag:s0], $0x1000  }
.Ltmp1:
0x25: {  	[sflag:s0] =	ssyncset.done @!p2 $0x0;
	(pc) =	sbr.rel @!p3 .LBB2_19-.Ltmp1, $4  }
0x26: {  	[sflag:s0] =	ssyncadd.s32 @!p2 $0xFFFFF000;
	s0 =	simm.s32 @!p0 $0xA  }
0x27: {  	_ =	swait.ge @!p0 [sflag:s0], $0x2000  }
0x28: {  	[sflag:s0] =	ssyncset.done @!p0 $0x0  }
0x29: {  	[sflag:s0] =	ssyncadd.s32 @!p0 $0xFFFFE000  }
.LBB2_1:
.Ltmp2:
0x2a: {  	s0 =	simm.s32 $0x0;
	(pc) =	sbr.rel .LBB2_2-.Ltmp2, $4  }
0x2b: {  	[tilespmem:s0], [sflag:$0xB] =	stream.linear.gather [hbm4b:s4+s0], $0x1900, $0x38;
	[tilespmem:$0xB900] =	vst v63  }
0x2c: {  	_ =	swait.ge [sflag:s9], $0x1900  }
0x2d: {  	s28 =	smov.u32 s8;
	[sflag:s9] =	ssyncset.done $0x0  }
0x2e: {  	s29 =	simm.s32 $0x0;
	s30 =	simm.s32 $0x0;
	[sflag:s9] =	ssyncadd.s32 $0xFFFFE700  }
.LBB2_16:
0x2f: {  	p4 =	slt.u32 @!p3 s31, $0x30D41  }
0x30: {  	p5 =	por p4, p3  }
0x31: {  	p5 =	sge.s32 @!p5 s30, s6  }
0x32: {  	p4 =	por @!p3 p5, p4  }
0x33: {  	p3 =	por p4, p3  }
0x34: {  	s1 =	simm.s32 @!p3 $0xA  }
0x35: {  	_ =	swait.ge @!p3 [sflag:s1], $0x1000  }
0x36: {  	[sflag:s1] =	ssyncset.done @!p3 $0x0  }
0x37: {  	[sflag:s1] =	ssyncadd.s32 @!p3 $0xFFFFF000  }
.LBB2_17:
0x38: {  	s1 =	sadd.s32 $0x200, s29;
	p3 =	sgt.u32 s31, $0x30CC0  }
0x39: {  	[tilespmem:s20], [sflag:$0x5] =	stream.indirect.gather [hbm4b:s3+s11], $0x40, s1, s11, $0xb8;
	[tilespmem:$0xB900] =	vst v63  }
0x3a: {  	p4 =	sgt.u32 @p3 s31, $0x30D3F  }
0x3b: {  	_ =	swait.ge [sflag:s21], $0x2000;
	p4 =	por p4, !p3  }
0x3c: {  	[sflag:s21] =	ssyncset.done $0x0;
	s1 =	sadd.s32 @!p4 $0xFFFFF000, s28  }
0x3d: {  	s0 =	simm.s32 @!p4 $0x0;
	s2 =	simm.s32 @!p4 $0x1900;
	[sflag:s21] =	ssyncadd.s32 $0xFFFFE000  }
0x3e: {  	[hbm4b:s1+s0] =	stream.linear.scatter @!p4 [tilespmem:s2], [sflag:$0x6], $0x1000, $0x38;
	[tilespmem:$0xB900] =	vst v63  }
0x3f: {  	s0 =	sadd.s32 @!p3 $0xFFFFF000, s28;
	s1 =	simm.s32 @!p3 $0x0;
	s2 =	simm.s32 @!p3 $0x1900  }
0x40: {  	[hbm4b:s0+s1] =	stream.linear.scatter @!p3 [tilespmem:s2], [sflag:$0x6], $0x2000, $0x38;
	[tilespmem:$0xB900] =	vst v63  }
0x41: {  	s0 =	sadd.s32 $0x80, s31  }
0x42: {  	_ =	swait.ge [sflag:s22], $0x2000;
	p3 =	sgt.u32 s0, $0x30CC0  }
0x43: {  	[sflag:s22] =	ssyncset.done $0x0;
	p4 =	sgt.u32 @p3 s0, $0x30D3F  }
0x44: {  	[sflag:s22] =	ssyncadd.s32 $0xFFFFE000;
	p4 =	por p4, !p3  }
0x45: {  	s0 =	sadd.s32 @!p4 $0xFFFFF400, s28;
	s1 =	simm.s32 @!p4 $0x0;
	s2 =	simm.s32 @!p4 $0x3900  }
0x46: {  	[hbm4b:s0+s1] =	stream.linear.scatter @!p4 [tilespmem:s2], [sflag:$0x7], $0x1000, $0x38;
	[tilespmem:$0xB900] =	vst v63  }
0x47: {  	s0 =	sadd.s32 @!p3 $0xFFFFF400, s28;
	s1 =	simm.s32 @!p3 $0x0;
	s2 =	simm.s32 @!p3 $0x3900  }
0x48: {  	[hbm4b:s0+s1] =	stream.linear.scatter @!p3 [tilespmem:s2], [sflag:$0x7], $0x2000, $0x38;
	[tilespmem:$0xB900] =	vst v63  }
0x49: {  	s0 =	sadd.s32 $0x100, s31  }
0x4a: {  	_ =	swait.ge [sflag:s23], $0x2000;
	p3 =	sgt.u32 s0, $0x30CC0  }
0x4b: {  	[sflag:s23] =	ssyncset.done $0x0;
	p4 =	sgt.u32 @p3 s0, $0x30D3F  }
0x4c: {  	[sflag:s23] =	ssyncadd.s32 $0xFFFFE000;
	p4 =	por p4, !p3  }
0x4d: {  	s0 =	sadd.s32 @!p4 $0xFFFFF800, s28;
	s1 =	simm.s32 @!p4 $0x0;
	s2 =	simm.s32 @!p4 $0x5900  }
0x4e: {  	[hbm4b:s0+s1] =	stream.linear.scatter @!p4 [tilespmem:s2], [sflag:$0x8], $0x1000, $0x38;
	[tilespmem:$0xB900] =	vst v63  }
0x4f: {  	s0 =	sadd.s32 @!p3 $0xFFFFF800, s28;
	s1 =	simm.s32 @!p3 $0x0;
	s2 =	simm.s32 @!p3 $0x5900  }
0x50: {  	[hbm4b:s0+s1] =	stream.linear.scatter @!p3 [tilespmem:s2], [sflag:$0x8], $0x2000, $0x38;
	[tilespmem:$0xB900] =	vst v63  }
0x51: {  	s0 =	sadd.s32 $0x180, s31  }
0x52: {  	_ =	swait.ge [sflag:s24], $0x2000;
	p3 =	sgt.u32 s0, $0x30CC0  }
0x53: {  	[sflag:s24] =	ssyncset.done $0x0;
	p4 =	sgt.u32 @p3 s0, $0x30D3F  }
0x54: {  	[sflag:s24] =	ssyncadd.s32 $0xFFFFE000;
	p4 =	por p4, !p3  }
0x55: {  	s0 =	sadd.s32 @!p4 $0xFFFFFC00, s28;
	s1 =	simm.s32 @!p4 $0x0;
	s2 =	simm.s32 @!p4 $0x7900  }
0x56: {  	[hbm4b:s0+s1] =	stream.linear.scatter @!p4 [tilespmem:s2], [sflag:$0x9], $0x1000, $0x38;
	[tilespmem:$0xB900] =	vst v63  }
0x57: {  	s0 =	sadd.s32 @!p3 $0xFFFFFC00, s28;
	s1 =	simm.s32 @!p3 $0x0;
	s2 =	simm.s32 @!p3 $0x7900  }
0x58: {  	[hbm4b:s0+s1] =	stream.linear.scatter @!p3 [tilespmem:s2], [sflag:$0x9], $0x2000, $0x38;
	[tilespmem:$0xB900] =	vst v63  }
0x59: {  	s0 =	sadd.s32 $0x200, s31  }
0x5a: {  	p3 =	sgt.u32 s0, $0x30CC0  }
0x5b: {  	_ =	swait.ge [sflag:s25], $0x2000;
	p4 =	sgt.u32 @p3 s0, $0x30D3F  }
0x5c: {  	[sflag:s25] =	ssyncset.done $0x0;
	p4 =	por p4, !p3  }
0x5d: {  	[sflag:s25] =	ssyncadd.s32 $0xFFFFE000;
	s0 =	simm.s32 @!p4 $0x0;
	s1 =	simm.s32 @!p4 $0x9900  }
0x5e: {  	[hbm4b:s28+s0] =	stream.linear.scatter @!p4 [tilespmem:s1], [sflag:$0xA], $0x1000, $0x38;
	[tilespmem:$0xB900] =	vst v63  }
0x5f: {  	s30 =	sadd.s32 $0x280, s30;
	s0 =	simm.s32 @!p3 $0x0;
	s1 =	simm.s32 @!p3 $0x9900  }
0x60: {  	[hbm4b:s28+s0] =	stream.linear.scatter @!p3 [tilespmem:s1], [sflag:$0xA], $0x2000, $0x38;
	[tilespmem:$0xB900] =	vst v63  }
0x61: {  	p3 =	sne.s32 s30, $0x1900  }
.Ltmp3:
0x62: {  	_ = 	snop;
	(pc) =	sbr.rel @!p3 .LBB2_18-.Ltmp3, $2  }
0x63: {  	_ =	sdelay $0x2  }
0x64: {  	s29 =	sadd.s32 $0x280, s29;
	s28 =	sadd.s32 $0x1400, s28  }
.LBB2_2:
0x65: {  	s31 =	sadd.s32 s30, s7  }
0x66: {  	p3 =	seq.s32 s30, $0x0;
	s1 =	sadd.s32 $0xFFFFFD80, s31  }
0x67: {  	p4 =	sgt.s32 @!p3 s1, $0x30CC0  }
0x68: {  	p4 =	por p3, p4  }
.Ltmp4:
0x69: {  	_ = 	snop;
	(pc) =	sbr.rel @p4 .LBB2_4-.Ltmp4, $1  }
0x6a: {  	_ =	sdelay $0x3  }
.Ltmp5:
0x6b: {  	(pc) =	sbr.rel .LBB2_5-.Ltmp5, $4  }
0x6c: {  	_ = 	snop  }
0x6d: {  	_ =	swait.ge [sflag:s10], $0x2000  }
0x6e: {  	[sflag:s10] =	ssyncset.done $0x0  }
0x6f: {  	[sflag:s10] =	ssyncadd.s32 $0xFFFFE000  }
.LBB2_4:
0x70: {  	s1 =	sadd.s32 $0xFFFCF0BF, s31  }
0x71: {  	p4 =	sgt.u32 @!p3 s1, $0x7E  }
0x72: {  	p4 =	por p4, p3  }
0x73: {  	s1 =	simm.s32 @!p4 $0x6  }
0x74: {  	_ =	swait.ge @!p4 [sflag:s1], $0x1000  }
0x75: {  	[sflag:s1] =	ssyncset.done @!p4 $0x0  }
0x76: {  	[sflag:s1] =	ssyncadd.s32 @!p4 $0xFFFFF000  }
.LBB2_5:
0x77: {  	s1 =	sadd.s32 $0xFFFFFE00, s31  }
0x78: {  	p4 =	sgt.s32 @!p3 s1, $0x30CC0  }
0x79: {  	p4 =	por p3, p4  }
.Ltmp6:
0x7a: {  	_ = 	snop;
	(pc) =	sbr.rel @p4 .LBB2_7-.Ltmp6, $2  }
0x7b: {  	_ =	sdelay $0x2  }
0x7c: {  	[tilespmem:s12], [sflag:$0x1] =	stream.indirect.gather [hbm4b:s3+s11], $0x40, s29, s11, $0xb8;
	[tilespmem:$0xB900] =	vst v63  }
.Ltmp7:
0x7d: {  	(pc) =	sbr.rel .LBB2_8-.Ltmp7, $4  }
0x7e: {  	_ = 	snop  }
0x7f: {  	_ =	swait.ge [sflag:s13], $0x2000  }
0x80: {  	[sflag:s13] =	ssyncset.done $0x0  }
0x81: {  	[sflag:s13] =	ssyncadd.s32 $0xFFFFE000  }
.LBB2_7:
0x82: {  	s1 =	sadd.s32 $0xFFFCF13F, s31  }
0x83: {  	p4 =	sgt.u32 @!p3 s1, $0x7E  }
0x84: {  	p4 =	por p4, p3  }
0x85: {  	s1 =	simm.s32 @!p4 $0x7  }
0x86: {  	_ =	swait.ge @!p4 [sflag:s1], $0x1000  }
0x87: {  	[sflag:s1] =	ssyncset.done @!p4 $0x0  }
0x88: {  	[sflag:s1] =	ssyncadd.s32 @!p4 $0xFFFFF000  }
.LBB2_8:
0x89: {  	s1 =	sadd.s32 $0x80, s29  }
0x8a: {  	[tilespmem:s14], [sflag:$0x2] =	stream.indirect.gather [hbm4b:s3+s11], $0x40, s1, s11, $0xb8;
	[tilespmem:$0xB900] =	vst v63  }
0x8b: {  	s1 =	sadd.s32 $0xFFFFFE80, s31  }
0x8c: {  	p4 =	sgt.s32 @!p3 s1, $0x30CC0  }
0x8d: {  	p4 =	por p3, p4  }
.Ltmp8:
0x8e: {  	_ = 	snop;
	(pc) =	sbr.rel @p4 .LBB2_10-.Ltmp8, $1  }
0x8f: {  	_ =	sdelay $0x3  }
.Ltmp9:
0x90: {  	(pc) =	sbr.rel .LBB2_11-.Ltmp9, $4  }
0x91: {  	_ = 	snop  }
0x92: {  	_ =	swait.ge [sflag:s15], $0x2000  }
0x93: {  	[sflag:s15] =	ssyncset.done $0x0  }
0x94: {  	[sflag:s15] =	ssyncadd.s32 $0xFFFFE000  }
.LBB2_10:
0x95: {  	s1 =	sadd.s32 $0xFFFCF1BF, s31  }
0x96: {  	p4 =	sgt.u32 @!p3 s1, $0x7E  }
0x97: {  	p4 =	por p4, p3  }
0x98: {  	s1 =	simm.s32 @!p4 $0x8  }
0x99: {  	_ =	swait.ge @!p4 [sflag:s1], $0x1000  }
0x9a: {  	[sflag:s1] =	ssyncset.done @!p4 $0x0  }
0x9b: {  	[sflag:s1] =	ssyncadd.s32 @!p4 $0xFFFFF000  }
.LBB2_11:
0x9c: {  	s1 =	sadd.s32 $0x100, s29  }
0x9d: {  	[tilespmem:s16], [sflag:$0x3] =	stream.indirect.gather [hbm4b:s3+s11], $0x40, s1, s11, $0xb8;
	[tilespmem:$0xB900] =	vst v63  }
0x9e: {  	s1 =	sadd.s32 $0xFFFFFF00, s31  }
0x9f: {  	p4 =	sgt.s32 @!p3 s1, $0x30CC0  }
0xa0: {  	p4 =	por p3, p4  }
.Ltmp10:
0xa1: {  	_ = 	snop;
	(pc) =	sbr.rel @p4 .LBB2_13-.Ltmp10, $1  }
0xa2: {  	_ =	sdelay $0x3  }
.Ltmp11:
0xa3: {  	(pc) =	sbr.rel .LBB2_14-.Ltmp11, $4  }
0xa4: {  	_ = 	snop  }
0xa5: {  	_ =	swait.ge [sflag:s17], $0x2000  }
0xa6: {  	[sflag:s17] =	ssyncset.done $0x0  }
0xa7: {  	[sflag:s17] =	ssyncadd.s32 $0xFFFFE000  }
.LBB2_13:
0xa8: {  	s1 =	sadd.s32 $0xFFFCF23F, s31  }
0xa9: {  	p4 =	sgt.u32 @!p3 s1, $0x7E  }
0xaa: {  	p4 =	por p4, p3  }
0xab: {  	s1 =	simm.s32 @!p4 $0x9  }
0xac: {  	_ =	swait.ge @!p4 [sflag:s1], $0x1000  }
0xad: {  	[sflag:s1] =	ssyncset.done @!p4 $0x0  }
0xae: {  	[sflag:s1] =	ssyncadd.s32 @!p4 $0xFFFFF000  }
.LBB2_14:
0xaf: {  	p4 =	sgt.u32 @!p3 s31, $0x30D40  }
0xb0: {  	p4 =	por p3, p4  }
.Ltmp12:
0xb1: {  	_ = 	snop;
	(pc) =	sbr.rel @p4 .LBB2_16-.Ltmp12, $3  }
0xb2: {  	_ =	sdelay $0x1  }
0xb3: {  	s1 =	sadd.s32 $0x180, s29  }
0xb4: {  	[tilespmem:s18], [sflag:$0x4] =	stream.indirect.gather [hbm4b:s3+s11], $0x40, s1, s11, $0xb8;
	[tilespmem:$0xB900] =	vst v63  }
.Ltmp13:
0xb5: {  	(pc) =	sbr.rel .LBB2_17-.Ltmp13, $4  }
0xb6: {  	_ = 	snop  }
0xb7: {  	_ =	swait.ge [sflag:s19], $0x2000  }
0xb8: {  	[sflag:s19] =	ssyncset.done $0x0  }
0xb9: {  	[sflag:s19] =	ssyncadd.s32 $0xFFFFE000  }
.LBB2_19:
0xba: {  	_ =	sfence.sel $0x180000  }
0xbb: {  	[bflag:$0x0] =	sbarrier.arrive $0xFFFF  }
0xbc: {  	_ =	strace $0x90000047  }
0xbd: {  	s0 =	stileid.u32;
	[bflag:$0x2] =	sbarrier.arrive $0xFFFF  }
0xbe: {  	p0 =	sne.s32 s0, $0x0;
	s0 =	rddreg [dreg:$0x3]  }
0xbf: {  	s0 =	sadd.s32 @!p0 $0x100000, s0  }
0xc0: {  	[sflag:s0] =	ssyncadd.tile.s32 @!p0 $0x1;
	_ =	shalt  }
.Lfunc_end2:
_tile_overlayer_lowered:
.L_overlay_start_2:
0xc1: {  	(tag) =	ssettag $0x2  }
0xc2: {  	s0 =	rddreg [dreg:$0x0];
	s2 =	stileid.u32  }
0xc3: {  	s1 =	rddreg [dreg:$0x1];
	p0 =	sne.s32 s2, $0x0  }
0xc4: {  	s3 =	rddreg [dreg:$0x2];
	[bflag:$0x3] =	sbarrier.arrive $0xFFFF;
	s2 =	simm.s32 @!p0 $0x1C0B  }
0xc5: {  	[timem:s3], [sflag:s2] =	dma.local @!p0 [hbm:s0], s1  }
0xc6: {  	s0 =	simm.s32 @!p0 $0xB  }
0xc7: {  	_ =	swait.ge @!p0 [sflag:s0], s1  }
0xc8: {  	s1 =	ssub.s32 @!p0 $0x0, s1;
	[sflag:s0] =	ssyncset.done @!p0 $0x0  }
0xc9: {  	[sflag:s0] =	ssyncadd.s32 @!p0 s1  }
0xca: {  	[bflag:$0x3] =	sbarrier.arrive $0xFFFF  }
0xcb: {  	_ =	shalt  }

// kernel: sparse-core-data-format-call.cloned.1.call-start
scs
called_computation_lowered:
.L_overlay_start_0:
0x0: {  	s2 =	sld [smem:$0x3FD9]  }
0x1: {  	s3 =	sld [smem:$0x3FFE];
	_ =	sdelay $0x1  }
0x2: {  	s1 =	srdreg.scid  }
0x3: {  	s0 =	sand.u32 $0x1, s1  }
0x4: {  	s15 =	sshll.u32 s0, $0xA;
	s2 =	sadd.s32 s3, s2  }
0x5: {  	s2 =	sadd.s32 s2, s15  }
0x6: {  	[smem:$0x3FC3] =	sst s2  }
0x7: {  	_ = 	snop  }
0x8: {  	s2 =	sld [smem:$0x3FD0];
	_ =	sdelay $0x2  }
0x9: {  	s16 =	simm.s32 $0xA;
	s4 =	simm.s32 $0x10  }
0xa: {  	[smem:s4], [sflag:s16] =	dma.local [hbm:s2], $0x1  }
0xb: {  	_ =	swait.eq [sflag:s16], $0x1  }
0xc: {  	[sflag:s16] =	ssyncset.done $0x0  }
0xd: {  	[sflag:s16] =	ssyncadd.s32 $0xFFFFFFFF  }
0xe: {  	s17 =	sld [smem:$0x11];
	(tm) =	ssettm $0x1  }
0xf: {  	s18 =	sld [smem:$0x3FFB];
	_ =	sdelay $0x3  }
0x10: {  	_ =	strace s18  }
0x11: {  	s3 =	sld [smem:$0x3FFC];
	_ =	sdelay $0x3  }
0x12: {  	_ =	strace s3  }
0x13: {  	s3 =	sld [smem:$0x3FFD];
	_ =	sdelay $0x3  }
0x14: {  	_ =	strace s3  }
0x15: {  	_ =	strace $0x8FFFFFFF  }
0x16: {  	s19 =	sld [smem:$0x3FDB];
	_ =	sdelay $0x1  }
0x17: {  	s20 =	simm.s32 $_scs_section_size  }
0x18: {  	s5 =	simm.s32 $_size__tile_overlayer_lowered;
	s6 =	simm.s32 $_tile_overlayer_lowered  }
0x19: {  	s23 =	simm.s32 $0x1BFF;
	s22 =	sshll.u32 s6, $0x1;
	s3 =	sadd.s32 s20, s19  }
0x1a: {  	s7 =	simm.s32 $0x0;
	s21 =	sshll.u32 s5, $0x1;
	s5 =	sadd.s32 s22, s3  }
0x1b: {  	[timem:s7], [sflag:s23] =	dma.local [hbm:s5], s21  }
0x1c: {  	_ =	swait.ge [sflag:s23], s21  }
0x1d: {  	s4 =	ssub.s32 $0x0, s21;
	[sflag:s23] =	ssyncset.done $0x0  }
0x1e: {  	[sflag:s23] =	ssyncadd.s32 s4;
	_ =	sdelay $0x1  }
0x1f: {  	s24 =	simm.s32 $0x1B8B  }
0x20: {  	_ =	swait.ge [sflag:s24], $0x1  }
0x21: {  	[sflag:s24] =	ssyncset.done $0x0  }
0x22: {  	s26 =	simm.s32 $0x1B8E;
	s25 =	sld [smem:$0x3FFE];
	[sflag:s24] =	ssyncadd.s32 $0xFFFFFFFF  }
0x23: {  	s27 =	simm.s32 $execute0_lowered;
	[smem:$0x3FD2] =	sst s26  }
0x24: {  	s5 =	sshll.u32 s27, $0x1;
	_ =	strace $0x80000049;
	[dreg:$0x1] =	wrdreg $0xFFFFFFFF  }
0x25: {  	s28 =	simm.s32 $_size_execute0_lowered;
	s3 =	sadd.s32 s3, s5;
	[dreg:$0x0] =	wrdreg $0x0  }
0x26: {  	s5 =	sshll.u32 s28, $0x1;
	[dreg:$0x2] =	wrdreg s3  }
0x27: {  	[dreg:$0x3] =	wrdreg s5  }
0x28: {  	[dreg:$0x4] =	wrdreg $0xC0  }
0x29: {  	_ =	task [dreg:s7], $0x5FFFF  }
0x2a: {  	[dreg:$0x1] =	wrdreg $0xFFFFFFFF  }
0x2b: {  	[dreg:$0x0] =	wrdreg $0x60  }
0x2c: {  	[dreg:$0x2] =	wrdreg s25  }
0x2d: {  	[dreg:$0x3] =	wrdreg s17  }
0x2e: {  	[dreg:$0x4] =	wrdreg $0x9  }
0x2f: {  	_ =	task.clear_ibuf [dreg:s7], $0x5FFFF;
	_ =	strace $0x90000049  }
0x30: {  	s29 =	simm.s32 $0x9;
	_ =	strace $0x8000004B  }
0x31: {  	_ =	swait.ge [sflag:s29], $0x1  }
0x32: {  	[sflag:s29] =	ssyncadd.s32 $0xFFFFFFFF  }
0x33: {  	_ =	strace $0x9000004B  }
0x34: {  	_ =	sfence  }
0x35: {  	s30 =	sld [smem:$0x0];
	_ =	sdelay $0x2  }
0x36: {  	s31 =	sshll.u32 s1, $0xD;
	s1 =	sshrl.u32 s1, $0x2  }
0x37: {  	s3 =	sand.u32 $0x4000, s31;
	s1 =	sadd.s32 s1, s30  }
0x38: {  	s0 =	sor.u32 s3, s0;
	s1 =	sshll.u32 s1, $0x11  }
0x39: {  	s0 =	sor.u32 s1, s0  }
0x3a: {  	s0 =	sadd.s32 $0x8F2B, s0  }
0x3b: {  	[sflag:s0] =	ssyncadd.remote.s32 $0x1  }
0x3c: {  	_ =	sfence.sel $0xFFFF  }
0x3d: {  	[dreg:$0x0] =	wrdreg $0xFFFFFFFF;
	(pc) =	sbr.abs _section_cstart, $3  }
0x3e: {  	[dreg:$0x1] =	wrdreg $0xFFFFFFFF  }
0x3f: {  	_ =	task.clear_ibuf [dreg:s7], $0x2FFFF;
	_ =	strace $0x9FFFFFFF  }
0x40: {  	(tm) =	ssettm $0x7FFFFFFF  }
0x41: {  	_ =	shalt  }
tec
execute0_lowered:
.L_overlay_start_1:
0x0: {  	(tag) =	ssettag $0x1  }
0x1: {  	s4 =	rddreg [dreg:$0x0]  }
0x2: {  	s0 =	srdreg.scid;
	s2 =	rddreg [dreg:$0x1]  }
0x3: {  	s1 =	stileid.u32;
	s5 =	simm.s32 $0x1;
	s0 =	sshll.u32 s0, $0x4  }
0x4: {  	s7 =	simm.s32 $0x2;
	s11 =	simm.s32 $0x0;
	s3 =	sand.u32 $0x10, s0  }
.Ltmp0:
0x5: {  	p0 =	por $0x0, $0x0;
	s3 =	sor.u32 s1, s3;
	(pc) =	sbr.rel .LBB1_1-.Ltmp0, $4  }
0x6: {  	s8 =	simm.s32 $0x186C00;
	s10 =	simm.s32 $0x0;
	s3 =	sshll.u32 s3, $0x7  }
0x7: {  	s0 =	rddreg [dreg:$0x2];
	_ =	strace $0x8000004A;
	s6 =	ssub.s32 $0x30D00, s3  }
0x8: {  	s4 =	sadd.s32 $0xE00, s4;
	[sflag:s5] =	ssyncpa.u1 $0x0;
	s6 =	sshrl.u32 s6, $0xC  }
0x9: {  	[sflag:s7] =	ssyncpa.u1 $0x0;
	s9 =	smov.u32 s3;
	s7 =	sadd.s32 $0x2, s6  }
.LBB1_5:
0xa: {  	s13 =	sadd.s32 $0x1000, s9  }
0xb: {  	p2 =	sgt.s32 s13, $0x30D3F  }
0xc: {  	s13 =	smov.u32 @p2 s3;
	p2 =	sne.s32 s10, s7  }
.Ltmp1:
0xd: {  	p1 =	slt.u32 s10, $0x2;
	(pc) =	sbr.rel @!p2 .LBB1_6-.Ltmp1, $4  }
0xe: {  	s12 =	simm.s32 @!p1 $0x2  }
0xf: {  	s14 =	sadd.s32 $0x1, s10;
	_ =	swait.ge @!p1 [sflag:s12], $0x2000  }
0x10: {  	s11 =	smov.u32 s9;
	p0 =	por !p0, !p0;
	[sflag:s12] =	ssyncset.done @!p1 $0x0  }
0x11: {  	s10 =	smov.u32 s14;
	s9 =	smov.u32 s13;
	[sflag:s12] =	ssyncadd.s32 @!p1 $0xFFFFE000  }
.LBB1_1:
0x12: {  	p1 =	sgt.u32 s10, s6  }
0x13: {  	s13 =	smov.u32 s9;
	p2 =	sgt.s32 @!p1 s9, $0x30CC0  }
0x14: {  	s12 =	sand.u32 @!p1 $0x1FFFFFF, s9;
	s14 =	sshra.s32 @!p1 s9, $0x1F;
	p2 =	por !p2, p1  }
0x15: {  	s15 =	smulhi.u32 @!p1 $0x14F8B59, s12;
	s14 =	sand.u32 @!p1 s14, s9;
	s13 =	simm.s32 @p2 $0x30CC0  }
0x16: {  	s13 =	ssub.s32 @!p1 s13, s14  }
0x17: {  	s14 =	sshrl.u32 @!p1 s15, $0xA;
	s13 =	sadd.s32 @!p1 $0xFFFCF340, s13  }
0x18: {  	s15 =	sxor.u32 @!p1 $0xFFFFFFFF, s10;
	s14 =	smul.u32 @!p1 $0x30D40, s14;
	s16 =	sshll.u32 @!p1 s13, $0x8  }
0x19: {  	s15 =	sshll.u32 @!p1 s15, $0xD;
	p2 =	sgt.s32 @!p1 s13, $0x7F;
	s13 =	ssub.s32 @!p1 $0x8000, s16  }
0x1a: {  	s12 =	ssub.s32 @!p1 s12, s14;
	p2 =	por !p2, p1;
	s14 =	sand.u32 @!p1 $0x2000, s15  }
0x1b: {  	s15 =	simm.s32 @!p1 $0x40;
	s13 =	sshrl.u32 @!p1 s13, $0x2;
	s12 =	sshll.u32 @!p1 s12, $0x4  }
0x1c: {  	s16 =	simm.s32 @!p1 $0x80;
	s13 =	simm.s32 @!p2 $0x0;
	s12 =	sadd.s32 @!p1 s4, s12  }
0x1d: {  	[tilespmem:s14], [sflag:$0x1] =	stream.strided.gather @!p1 [hbm4b:s12+s15], s13, s16, s15, $0x38;
	[tilespmem:$0x8080] =	vst v63  }
0x1e: {  	p1 =	seq.s32 s10, $0x0  }
0x1f: {  	p2 =	sge.u32 @!p1 s10, s7  }
0x20: {  	p1 =	por p1, p2  }
.Ltmp2:
0x21: {  	_ = 	snop;
	(pc) =	sbr.rel @p1 .LBB1_5-.Ltmp2, $1  }
0x22: {  	_ =	sdelay $0x3  }
0x23: {  	p1 =	sgt.s32 s11, $0x30CC0;
	s12 =	smov.u32 s11;
	s13 =	sshra.s32 s11, $0x1F  }
0x24: {  	s12 =	simm.s32 @!p1 $0x30CC0;
	s13 =	sand.u32 s13, s11  }
0x25: {  	s12 =	ssub.s32 s12, s13  }
0x26: {  	s12 =	sadd.s32 $0xFFFCF340, s12  }
0x27: {  	s28 =	sshll.u32 s12, $0x8  }
0x28: {  	s13 =	ssub.s32 $0x8000, s28  }
0x29: {  	p1 =	sgt.s32 s12, $0x7F;
	s12 =	sshrl.u32 s13, $0x2  }
0x2a: {  	s13 =	simm.s32 $0x1;
	s12 =	simm.s32 @p1 $0x0  }
0x2b: {  	s13 =	simm.s32 @!p0 $0x0;
	_ =	swait.ge [sflag:s5], s12  }
0x2c: {  	s14 =	sshll.u32 s13, $0xD;
	s12 =	ssub.s32 $0x0, s12;
	[sflag:s5] =	ssyncset.done $0x0  }
0x2d: {  	s16 =	sor.u32 $0x20, s14;
	[sflag:s5] =	ssyncadd.s32 s12  }
0x2e: {  	s29 =	smul.u32 $0x8100, s13;
	v3 =	vld [tilespmem:s16+$0x10]  }
0x2f: {  	s30 =	sand.u32 $0x1, s10;
	v2 =	vld [tilespmem:s16+$0xFFFFFFF0]  }
0x30: {  	s13 =	smul.u32 $0x8100, s30;
	s12 =	sshrl.u32 s29, $0x2;
	v0 =	vld [tilespmem:s16+$0x0]  }
0x31: {  	s14 =	sor.u32 $0x4000, s12;
	v1 =	vld [tilespmem:s16+$0xFFFFFFE0]  }
0x32: {  	s31 =	sshrl.u32 s13, $0x2;
	s13 =	sadd.s32 $0x0, s14  }
0x33: {  	s15 =	simm.s32 $0x4;
	s12 =	sor.u32 $0x4000, s31;
	s16 =	sadd.s32 $0x40, s16;
	[tilespmem:s13+$0x1830 ss:$0x81] =	vst.msk $0xffff, v3  }
.LBB1_3:
0x34: {  	v3 =	vld [tilespmem:s16+$0x10];
	p1 =	sne.s32 s15, $0x1FC;
	[tilespmem:s13+$0x810 ss:$0x81] =	vst.msk $0xffff, v2;
	s17 =	smov.u32 s15;
	s15 =	sadd.s32 $0x4, s15  }
.Ltmp3:
0x35: {  	v2 =	vld [tilespmem:s16+$0xFFFFFFF0];
	[tilespmem:s13+$0x1020 ss:$0x81] =	vst.msk $0xffff, v0;
	(pc) =	sbr.rel @p1 .LBB1_3-.Ltmp3, $4  }
0x36: {  	v0 =	vld [tilespmem:s16+$0x0];
	[tilespmem:s13+$0x0 ss:$0x81] =	vst.msk $0xffff, v1  }
0x37: {  	s13 =	sshra.s32 s17, $0x2;
	v1 =	vld [tilespmem:s16+$0xFFFFFFE0]  }
0x38: {  	s13 =	sadd.s32 s13, s14  }
0x39: {  	s16 =	sadd.s32 $0x40, s16;
	[tilespmem:s13+$0x1830 ss:$0x81] =	vst.msk $0xffff, v3  }
0x3a: {  	s14 =	sshll.u32 s11, $0x3  }
0x3b: {  	s14 =	sand.u32 $0xFFFFFC00, s14  }
0x3c: {  	s15 =	sshrl.u32 s14, $0x7  }
0x3d: {  	s15 =	smulhi.u32 $0xA7B7EF, s15;
	_ =	sdelay $0x1  }
0x3e: {  	s15 =	sshrl.u32 s15, $0x2  }
0x3f: {  	s28 =	sand.u32 $0x7F, s11;
	s16 =	smul.u32 $0x30D80, s15  }
0x40: {  	s11 =	sor.u32 s28, s14  }
.Ltmp4:
0x41: {  	s29 =	sand.u32 $0x3F, s15;
	s11 =	ssub.s32 s11, s16;
	(pc) =	sbr.rel .LBB1_5-.Ltmp4, $4  }
0x42: {  	[tilespmem:s13+$0x810 ss:$0x81] =	vst.msk $0xffff, v2;
	s14 =	smul.u32 $0x61B0, s29;
	s30 =	sshrl.u32 s11, $0x3;
	s11 =	sand.u32 $0x7, s11  }
0x43: {  	[tilespmem:s13+$0x1020 ss:$0x81] =	vst.msk $0xffff, v0;
	s15 =	sadd.s32 s2, s30;
	s11 =	sshll.u32 s11, $0x12  }
0x44: {  	[tilespmem:s13+$0x0 ss:$0x81] =	vst.msk $0xffff, v1;
	s31 =	sadd.s32 s14, s15;
	s11 =	sor.u32 $0x400, s11  }
0x45: {  	[hbm4b:s31+s11] =	stream.strided.scatter [tilespmem:s12], [sflag:$0x2], $0x2000, s8, s11, $0x20;
	[tilespmem:$0x8080] =	vst v63  }
.LBB1_6:
0x46: {  	_ =	sfence.sel $0x180000  }
0x47: {  	s2 =	simm.s32 $0x1;
	[bflag:$0x0] =	sbarrier.arrive $0xFFFF  }
0x48: {  	s31 =	simm.s32 $0x2;
	[sflag:s2] =	ssyncpa.u1 $0x1  }
0x49: {  	[sflag:s31] =	ssyncpa.u1 $0x1  }
0x4a: {  	p0 =	sne.s32 s1, $0x0;
	_ =	strace $0x9000004A  }
0x4b: {  	s0 =	sadd.s32 @!p0 $0x100000, s0;
	[bflag:$0x2] =	sbarrier.arrive $0xFFFF  }
0x4c: {  	[sflag:s0] =	ssyncadd.tile.s32 @!p0 $0x1;
	_ =	shalt  }
.Lfunc_end1:
_tile_overlayer_lowered:
.L_overlay_start_2:
0x4d: {  	(tag) =	ssettag $0x2  }
0x4e: {  	s0 =	rddreg [dreg:$0x0];
	s2 =	stileid.u32  }
0x4f: {  	s1 =	rddreg [dreg:$0x1];
	p0 =	sne.s32 s2, $0x0  }
0x50: {  	s3 =	rddreg [dreg:$0x2];
	[bflag:$0x3] =	sbarrier.arrive $0xFFFF;
	s2 =	simm.s32 @!p0 $0x1C01  }
0x51: {  	[timem:s3], [sflag:s2] =	dma.local @!p0 [hbm:s0], s1  }
0x52: {  	s0 =	simm.s32 @!p0 $0x1  }
0x53: {  	_ =	swait.ge @!p0 [sflag:s0], s1  }
0x54: {  	s1 =	ssub.s32 @!p0 $0x0, s1;
	[sflag:s0] =	ssyncset.done @!p0 $0x0  }
0x55: {  	[sflag:s0] =	ssyncadd.s32 @!p0 s1  }
0x56: {  	[bflag:$0x3] =	sbarrier.arrive $0xFFFF  }
0x57: {  	_ =	shalt  }

</sc_bundles>
